<compile_context>
chip_gen: v7x
topology: tpu7x:2x2x1
jax: 0.10.2.dev20260603
libtpu: 0.0.44.dev20260713+nightly
codegen_flags: <defaults>
</compile_context>

<pallas_src>
import functools

import jax
import jax.numpy as jnp
from jax import lax
from jax.experimental import pallas as pl
from jax.experimental.pallas import tpu as pltpu, tpu_sc as plsc

_DIM = 128
_CHUNK = 64


def kernel(timestep, pe_matrix):
    batch = timestep.shape[0]
    rows, dim = pe_matrix.shape
    info = plsc.get_sparse_core_info()
    nc, ns = info.num_cores, info.num_subcores
    nw = nc * ns
    b_per_w = batch // nw
    nch = b_per_w // _CHUNK
    mesh = plsc.VectorSubcoreMesh(core_axis_name="c", subcore_axis_name="s")

    @functools.partial(
        pl.kernel,
        mesh=mesh,
        out_type=jax.ShapeDtypeStruct((batch, dim), jnp.float32),
        scratch_types=[
            pltpu.VMEM((b_per_w,), jnp.int32),
            pltpu.VMEM((b_per_w, dim), jnp.float32),
            pltpu.VMEM_SHARED((rows, dim), jnp.float32),
            pltpu.SemaphoreType.DMA,
            pltpu.SemaphoreType.DMA,
        ],
    )
    def _gather(idx_hbm, table_hbm, out_hbm, idx_v, rows_v, table_sh, gsem, osem):
        cid = lax.axis_index("c")
        sid = lax.axis_index("s")
        wid = sid * nc + cid
        base = wid * b_per_w
        pltpu.sync_copy(idx_hbm.at[pl.ds(base, b_per_w)], idx_v)

        n_stagers = 5
        rows_per_stager = rows // n_stagers

        @pl.when(sid < n_stagers)
        def _stage_table():
            pltpu.sync_copy(
                table_hbm.at[pl.ds(sid * rows_per_stager, rows_per_stager)],
                table_sh.at[pl.ds(sid * rows_per_stager, rows_per_stager)],
            )

        plsc.subcore_barrier()
        gathers = []
        for j in range(nch):
            gathers.append(
                pltpu.async_copy(
                    table_sh.at[idx_v.at[pl.ds(j * _CHUNK, _CHUNK)]],
                    rows_v.at[pl.ds(j * _CHUNK, _CHUNK)],
                    gsem,
                )
            )
        writes = []
        for j in range(nch):
            gathers[j].wait()
            writes.append(
                pltpu.async_copy(
                    rows_v.at[pl.ds(j * _CHUNK, _CHUNK)],
                    out_hbm.at[pl.ds(base + j * _CHUNK, _CHUNK)],
                    osem,
                )
            )
        for w in writes:
            w.wait()

    return _gather(timestep, pe_matrix)

# --- scband reference (transcript-rebuilt; emitter-appended) ---
"""Pipeline reference for scband-transformer-positional-embedding-31387620999675 (READ-ONLY COPY).

The authoritative reference and input builder live on the scoring server;
editing this copy changes nothing except your own understanding.
"""

import jax, jax.numpy as jnp
import numpy as np

DIM = 128
MAX_T = 1000
BATCH = 16384

def _build_pe_matrix():
    even_indices = jnp.arange(0, DIM, 2, dtype=jnp.float32)
    log_term = jnp.log(jnp.asarray(10000.0, dtype=jnp.float32)) / DIM
    div_term = jnp.exp(even_indices * -log_term)
    timesteps = jnp.arange(MAX_T, dtype=jnp.float32)[:, None]
    pe = jnp.zeros((MAX_T, DIM), dtype=jnp.float32)
    pe = pe.at[:, 0::2].set(jnp.sin(timesteps * div_term))
    pe = pe.at[:, 1::2].set(jnp.cos(timesteps * div_term))
    return pe

def setup_inputs(seed: int = 0) -> dict:
    key = jax.random.key(seed)
    timestep = jax.random.randint(key, (BATCH,), 0, MAX_T, dtype=jnp.int64 if jax.config.jax_enable_x64 else jnp.int32)
    pe_matrix = _build_pe_matrix()
    return {"timestep": timestep, "pe_matrix": pe_matrix}

def reference(timestep, pe_matrix):
    # Faithful to torch: self.pe_matrix[timestep]
    return jnp.take(pe_matrix, timestep, axis=0)

if __name__ == "__main__":
    import jax
    _d = setup_inputs()
    print(jax.jit(kernel)(*tuple(_d.values())))

</pallas_src>

<mosaic_0001>
#map = affine_map<(d0, d1) -> (0)>
#map1 = affine_map<(d0, d1) -> (0, 0)>
module attributes {stable_mosaic.version = 14 : i64} {
  func.func @_gather(%arg0: i32, %arg1: i32, %arg2: memref<16384xi32, #tpu.memory_space<hbm>>, %arg3: memref<1000x128xf32, #tpu.memory_space<hbm>>, %arg4: memref<16384x128xf32, #tpu.memory_space<hbm>>, %arg5: memref<512xi32, #tpu.memory_space<vmem>>, %arg6: memref<512x128xf32, #tpu.memory_space<vmem>>, %arg7: memref<1000x128xf32, #tpu.memory_space<vmem_shared>>, %arg8: memref<!tpu.dma_semaphore, #tpu.memory_space<semaphore_mem>>, %arg9: memref<!tpu.dma_semaphore, #tpu.memory_space<semaphore_mem>>) attributes {dimension_semantics = [#tpu.dimension_semantics<core_parallel>, #tpu.dimension_semantics<subcore_parallel>], iteration_bounds = array<i64: 2, 16>, scalar_prefetch = 0 : i64, scratch_operands = 5 : i64, tpu.core_type = #tpu.core_type<sc_vector_subcore>, window_params = [{transform_indices = #map}, {transform_indices = #map1}, {transform_indices = #map1}]} {
    %mul3A = arith.constant 2 : i32
    %mul3A_0 = arith.muli %arg1, %mul3A : i32
    %add3A = arith.addi %mul3A_0, %arg0 : i32
    %mul3A_1 = arith.constant 512 : i32
    %mul3A_2 = arith.muli %add3A, %mul3A_1 : i32
    "tpu.region"() ({
      %run_scoped3A = tpu.sem_alloc : memref<!tpu.dma_semaphore, #tpu.memory_space<semaphore_mem>>
      %dma_start3A_307 = tpu.memref_slice %arg2[%mul3A_2] : memref<16384xi32, #tpu.memory_space<hbm>> -> memref<512xi32, #tpu.memory_space<hbm>>
      %dma_start3A_308 = tpu.memref_slice %arg2[%mul3A_2] : memref<16384xi32, #tpu.memory_space<hbm>> -> memref<512xi32, #tpu.memory_space<hbm>>
      tpu.enqueue_dma source(%dma_start3A_308 : memref<512xi32, #tpu.memory_space<hbm>>) target(%arg5 : memref<512xi32, #tpu.memory_space<vmem>>) target_semaphore(%run_scoped3A : memref<!tpu.dma_semaphore, #tpu.memory_space<semaphore_mem>>)
      %dma_wait3A_309 = tpu.memref_slice %arg2[%mul3A_2] : memref<16384xi32, #tpu.memory_space<hbm>> -> memref<512xi32, #tpu.memory_space<hbm>>
      %dma_wait3A_310 = tpu.memref_slice %arg2[%mul3A_2] : memref<16384xi32, #tpu.memory_space<hbm>> -> memref<512xi32, #tpu.memory_space<hbm>>
      tpu.wait_dma2 semaphore(%run_scoped3A : memref<!tpu.dma_semaphore, #tpu.memory_space<semaphore_mem>>) src(%dma_wait3A_310 : memref<512xi32, #tpu.memory_space<hbm>>) dst(%arg5 : memref<512xi32, #tpu.memory_space<vmem>>)
      tpu.yield
    }) : () -> ()
    %lt3A = arith.constant 5 : i32
    %lt3A_3 = arith.cmpi slt, %arg1, %lt3A : i32
    %convert_element_type3A = arith.extui %lt3A_3 : i1 to i32
    %cond3A = arith.constant 0 : i32
    %cond3A_4 = arith.cmpi ne, %convert_element_type3A, %cond3A : i32
    scf.if %cond3A_4 {
      %mul3A_307 = arith.constant 200 : i32
      %mul3A_308 = arith.muli %arg1, %mul3A_307 : i32
      %mul3A_309 = arith.constant 200 : i32
      %mul3A_310 = arith.muli %arg1, %mul3A_309 : i32
      "tpu.region"() ({
        %run_scoped3A = tpu.sem_alloc : memref<!tpu.dma_semaphore, #tpu.memory_space<semaphore_mem>>
        %dma_start3A_311 = arith.constant 0 : i32
        %dma_start3A_312 = tpu.memref_slice %arg7[%mul3A_310, %dma_start3A_311] : memref<1000x128xf32, #tpu.memory_space<vmem_shared>> -> memref<200x128xf32, #tpu.memory_space<vmem_shared>>
        %dma_start3A_313 = arith.constant 0 : i32
        %dma_start3A_314 = tpu.memref_slice %arg3[%mul3A_308, %dma_start3A_313] : memref<1000x128xf32, #tpu.memory_space<hbm>> -> memref<200x128xf32, #tpu.memory_space<hbm>>
        tpu.enqueue_dma source(%dma_start3A_314 : memref<200x128xf32, #tpu.memory_space<hbm>>) target(%dma_start3A_312 : memref<200x128xf32, #tpu.memory_space<vmem_shared>>) target_semaphore(%run_scoped3A : memref<!tpu.dma_semaphore, #tpu.memory_space<semaphore_mem>>)
        %dma_wait3A_315 = arith.constant 0 : i32
        %dma_wait3A_316 = tpu.memref_slice %arg7[%mul3A_310, %dma_wait3A_315] : memref<1000x128xf32, #tpu.memory_space<vmem_shared>> -> memref<200x128xf32, #tpu.memory_space<vmem_shared>>
        %dma_wait3A_317 = arith.constant 0 : i32
        %dma_wait3A_318 = tpu.memref_slice %arg3[%mul3A_308, %dma_wait3A_317] : memref<1000x128xf32, #tpu.memory_space<hbm>> -> memref<200x128xf32, #tpu.memory_space<hbm>>
        tpu.wait_dma2 semaphore(%run_scoped3A : memref<!tpu.dma_semaphore, #tpu.memory_space<semaphore_mem>>) src(%dma_wait3A_318 : memref<200x128xf32, #tpu.memory_space<hbm>>) dst(%dma_wait3A_316 : memref<200x128xf32, #tpu.memory_space<vmem_shared>>)
        tpu.yield
      }) : () -> ()
    } else {
    }
    %barrier3A = arith.constant 0 : index
    tpu.barrier barrier_id(%barrier3A)
    %dma_start3A = arith.constant 0 : i32
    %dma_start3A_5 = arith.constant 0 : i32
    %dma_start3A_6 = tpu.memref_slice %arg6[%dma_start3A, %dma_start3A_5] : memref<512x128xf32, #tpu.memory_space<vmem>> -> memref<64x128xf32, #tpu.memory_space<vmem>>
    %dma_start3A_7 = arith.constant 0 : i32
    %dma_start3A_8 = tpu.memref_slice %arg5[%dma_start3A_7] : memref<512xi32, #tpu.memory_space<vmem>> -> memref<64xi32, #tpu.memory_space<vmem>>
    %dma_start3A_9 = arith.constant 0 : i32
    %dma_start3A_10 = arith.constant 0 : i32
    %dma_start3A_11 = tpu.memref_slice %arg7[%dma_start3A_9, %dma_start3A_10] : memref<1000x128xf32, #tpu.memory_space<vmem_shared>> -> memref<1000x128xf32, #tpu.memory_space<vmem_shared>>
    tpu.enqueue_indirect_dma source(%dma_start3A_11 : memref<1000x128xf32, #tpu.memory_space<vmem_shared>>) target(%dma_start3A_6 : memref<64x128xf32, #tpu.memory_space<vmem>>) offsets(%dma_start3A_8 : memref<64xi32, #tpu.memory_space<vmem>>) semaphore(%arg8 : memref<!tpu.dma_semaphore, #tpu.memory_space<semaphore_mem>>)
    %dma_start3A_12 = arith.constant 64 : i32
    %dma_start3A_13 = arith.constant 0 : i32
    %dma_start3A_14 = tpu.memref_slice %arg6[%dma_start3A_12, %dma_start3A_13] : memref<512x128xf32, #tpu.memory_space<vmem>> -> memref<64x128xf32, #tpu.memory_space<vmem>>
    %dma_start3A_15 = arith.constant 64 : i32
    %dma_start3A_16 = tpu.memref_slice %arg5[%dma_start3A_15] : memref<512xi32, #tpu.memory_space<vmem>> -> memref<64xi32, #tpu.memory_space<vmem>>
    %dma_start3A_17 = arith.constant 0 : i32
    %dma_start3A_18 = arith.constant 0 : i32
    %dma_start3A_19 = tpu.memref_slice %arg7[%dma_start3A_17, %dma_start3A_18] : memref<1000x128xf32, #tpu.memory_space<vmem_shared>> -> memref<1000x128xf32, #tpu.memory_space<vmem_shared>>
    tpu.enqueue_indirect_dma source(%dma_start3A_19 : memref<1000x128xf32, #tpu.memory_space<vmem_shared>>) target(%dma_start3A_14 : memref<64x128xf32, #tpu.memory_space<vmem>>) offsets(%dma_start3A_16 : memref<64xi32, #tpu.memory_space<vmem>>) semaphore(%arg8 : memref<!tpu.dma_semaphore, #tpu.memory_space<semaphore_mem>>)
    %dma_start3A_20 = arith.constant 128 : i32
    %dma_start3A_21 = arith.constant 0 : i32
    %dma_start3A_22 = tpu.memref_slice %arg6[%dma_start3A_20, %dma_start3A_21] : memref<512x128xf32, #tpu.memory_space<vmem>> -> memref<64x128xf32, #tpu.memory_space<vmem>>
    %dma_start3A_23 = arith.constant 128 : i32
    %dma_start3A_24 = tpu.memref_slice %arg5[%dma_start3A_23] : memref<512xi32, #tpu.memory_space<vmem>> -> memref<64xi32, #tpu.memory_space<vmem>>
    %dma_start3A_25 = arith.constant 0 : i32
    %dma_start3A_26 = arith.constant 0 : i32
    %dma_start3A_27 = tpu.memref_slice %arg7[%dma_start3A_25, %dma_start3A_26] : memref<1000x128xf32, #tpu.memory_space<vmem_shared>> -> memref<1000x128xf32, #tpu.memory_space<vmem_shared>>
    tpu.enqueue_indirect_dma source(%dma_start3A_27 : memref<1000x128xf32, #tpu.memory_space<vmem_shared>>) target(%dma_start3A_22 : memref<64x128xf32, #tpu.memory_space<vmem>>) offsets(%dma_start3A_24 : memref<64xi32, #tpu.memory_space<vmem>>) semaphore(%arg8 : memref<!tpu.dma_semaphore, #tpu.memory_space<semaphore_mem>>)
    %dma_start3A_28 = arith.constant 192 : i32
    %dma_start3A_29 = arith.constant 0 : i32
    %dma_start3A_30 = tpu.memref_slice %arg6[%dma_start3A_28, %dma_start3A_29] : memref<512x128xf32, #tpu.memory_space<vmem>> -> memref<64x128xf32, #tpu.memory_space<vmem>>
    %dma_start3A_31 = arith.constant 192 : i32
    %dma_start3A_32 = tpu.memref_slice %arg5[%dma_start3A_31] : memref<512xi32, #tpu.memory_space<vmem>> -> memref<64xi32, #tpu.memory_space<vmem>>
    %dma_start3A_33 = arith.constant 0 : i32
    %dma_start3A_34 = arith.constant 0 : i32
    %dma_start3A_35 = tpu.memref_slice %arg7[%dma_start3A_33, %dma_start3A_34] : memref<1000x128xf32, #tpu.memory_space<vmem_shared>> -> memref<1000x128xf32, #tpu.memory_space<vmem_shared>>
    tpu.enqueue_indirect_dma source(%dma_start3A_35 : memref<1000x128xf32, #tpu.memory_space<vmem_shared>>) target(%dma_start3A_30 : memref<64x128xf32, #tpu.memory_space<vmem>>) offsets(%dma_start3A_32 : memref<64xi32, #tpu.memory_space<vmem>>) semaphore(%arg8 : memref<!tpu.dma_semaphore, #tpu.memory_space<semaphore_mem>>)
    %dma_start3A_36 = arith.constant 256 : i32
    %dma_start3A_37 = arith.constant 0 : i32
    %dma_start3A_38 = tpu.memref_slice %arg6[%dma_start3A_36, %dma_start3A_37] : memref<512x128xf32, #tpu.memory_space<vmem>> -> memref<64x128xf32, #tpu.memory_space<vmem>>
    %dma_start3A_39 = arith.constant 256 : i32
    %dma_start3A_40 = tpu.memref_slice %arg5[%dma_start3A_39] : memref<512xi32, #tpu.memory_space<vmem>> -> memref<64xi32, #tpu.memory_space<vmem>>
    %dma_start3A_41 = arith.constant 0 : i32
    %dma_start3A_42 = arith.constant 0 : i32
    %dma_start3A_43 = tpu.memref_slice %arg7[%dma_start3A_41, %dma_start3A_42] : memref<1000x128xf32, #tpu.memory_space<vmem_shared>> -> memref<1000x128xf32, #tpu.memory_space<vmem_shared>>
    tpu.enqueue_indirect_dma source(%dma_start3A_43 : memref<1000x128xf32, #tpu.memory_space<vmem_shared>>) target(%dma_start3A_38 : memref<64x128xf32, #tpu.memory_space<vmem>>) offsets(%dma_start3A_40 : memref<64xi32, #tpu.memory_space<vmem>>) semaphore(%arg8 : memref<!tpu.dma_semaphore, #tpu.memory_space<semaphore_mem>>)
    %dma_start3A_44 = arith.constant 320 : i32
    %dma_start3A_45 = arith.constant 0 : i32
    %dma_start3A_46 = tpu.memref_slice %arg6[%dma_start3A_44, %dma_start3A_45] : memref<512x128xf32, #tpu.memory_space<vmem>> -> memref<64x128xf32, #tpu.memory_space<vmem>>
    %dma_start3A_47 = arith.constant 320 : i32
    %dma_start3A_48 = tpu.memref_slice %arg5[%dma_start3A_47] : memref<512xi32, #tpu.memory_space<vmem>> -> memref<64xi32, #tpu.memory_space<vmem>>
    %dma_start3A_49 = arith.constant 0 : i32
    %dma_start3A_50 = arith.constant 0 : i32
    %dma_start3A_51 = tpu.memref_slice %arg7[%dma_start3A_49, %dma_start3A_50] : memref<1000x128xf32, #tpu.memory_space<vmem_shared>> -> memref<1000x128xf32, #tpu.memory_space<vmem_shared>>
    tpu.enqueue_indirect_dma source(%dma_start3A_51 : memref<1000x128xf32, #tpu.memory_space<vmem_shared>>) target(%dma_start3A_46 : memref<64x128xf32, #tpu.memory_space<vmem>>) offsets(%dma_start3A_48 : memref<64xi32, #tpu.memory_space<vmem>>) semaphore(%arg8 : memref<!tpu.dma_semaphore, #tpu.memory_space<semaphore_mem>>)
    %dma_start3A_52 = arith.constant 384 : i32
    %dma_start3A_53 = arith.constant 0 : i32
    %dma_start3A_54 = tpu.memref_slice %arg6[%dma_start3A_52, %dma_start3A_53] : memref<512x128xf32, #tpu.memory_space<vmem>> -> memref<64x128xf32, #tpu.memory_space<vmem>>
    %dma_start3A_55 = arith.constant 384 : i32
    %dma_start3A_56 = tpu.memref_slice %arg5[%dma_start3A_55] : memref<512xi32, #tpu.memory_space<vmem>> -> memref<64xi32, #tpu.memory_space<vmem>>
    %dma_start3A_57 = arith.constant 0 : i32
    %dma_start3A_58 = arith.constant 0 : i32
    %dma_start3A_59 = tpu.memref_slice %arg7[%dma_start3A_57, %dma_start3A_58] : memref<1000x128xf32, #tpu.memory_space<vmem_shared>> -> memref<1000x128xf32, #tpu.memory_space<vmem_shared>>
    tpu.enqueue_indirect_dma source(%dma_start3A_59 : memref<1000x128xf32, #tpu.memory_space<vmem_shared>>) target(%dma_start3A_54 : memref<64x128xf32, #tpu.memory_space<vmem>>) offsets(%dma_start3A_56 : memref<64xi32, #tpu.memory_space<vmem>>) semaphore(%arg8 : memref<!tpu.dma_semaphore, #tpu.memory_space<semaphore_mem>>)
    %dma_start3A_60 = arith.constant 448 : i32
    %dma_start3A_61 = arith.constant 0 : i32
    %dma_start3A_62 = tpu.memref_slice %arg6[%dma_start3A_60, %dma_start3A_61] : memref<512x128xf32, #tpu.memory_space<vmem>> -> memref<64x128xf32, #tpu.memory_space<vmem>>
    %dma_start3A_63 = arith.constant 448 : i32
    %dma_start3A_64 = tpu.memref_slice %arg5[%dma_start3A_63] : memref<512xi32, #tpu.memory_space<vmem>> -> memref<64xi32, #tpu.memory_space<vmem>>
    %dma_start3A_65 = arith.constant 0 : i32
    %dma_start3A_66 = arith.constant 0 : i32
    %dma_start3A_67 = tpu.memref_slice %arg7[%dma_start3A_65, %dma_start3A_66] : memref<1000x128xf32, #tpu.memory_space<vmem_shared>> -> memref<1000x128xf32, #tpu.memory_space<vmem_shared>>
    tpu.enqueue_indirect_dma source(%dma_start3A_67 : memref<1000x128xf32, #tpu.memory_space<vmem_shared>>) target(%dma_start3A_62 : memref<64x128xf32, #tpu.memory_space<vmem>>) offsets(%dma_start3A_64 : memref<64xi32, #tpu.memory_space<vmem>>) semaphore(%arg8 : memref<!tpu.dma_semaphore, #tpu.memory_space<semaphore_mem>>)
    %dma_wait3A = arith.constant 0 : i32
    %dma_wait3A_68 = arith.constant 0 : i32
    %dma_wait3A_69 = tpu.memref_slice %arg6[%dma_wait3A, %dma_wait3A_68] : memref<512x128xf32, #tpu.memory_space<vmem>> -> memref<64x128xf32, #tpu.memory_space<vmem>>
    %dma_wait3A_70 = arith.constant 0 : i32
    %dma_wait3A_71 = tpu.memref_slice %arg5[%dma_wait3A_70] : memref<512xi32, #tpu.memory_space<vmem>> -> memref<64xi32, #tpu.memory_space<vmem>>
    %dma_wait3A_72 = arith.constant 0 : i32
    %dma_wait3A_73 = arith.constant 0 : i32
    %dma_wait3A_74 = tpu.memref_slice %arg7[%dma_wait3A_72, %dma_wait3A_73] : memref<1000x128xf32, #tpu.memory_space<vmem_shared>> -> memref<1000x128xf32, #tpu.memory_space<vmem_shared>>
    tpu.wait_indirect_dma semaphore(%arg8 : memref<!tpu.dma_semaphore, #tpu.memory_space<semaphore_mem>>) src(%dma_wait3A_74 : memref<1000x128xf32, #tpu.memory_space<vmem_shared>>) dst(%dma_wait3A_69 : memref<64x128xf32, #tpu.memory_space<vmem>>)
    %add3A_75 = arith.constant 0 : i32
    %add3A_76 = arith.addi %mul3A_2, %add3A_75 : i32
    %dma_start3A_77 = arith.constant 0 : i32
    %dma_start3A_78 = arith.constant 0 : i32
    %dma_start3A_79 = tpu.memref_slice %arg6[%dma_start3A_77, %dma_start3A_78] : memref<512x128xf32, #tpu.memory_space<vmem>> -> memref<64x128xf32, #tpu.memory_space<vmem>>
    %dma_start3A_80 = arith.constant 0 : i32
    %dma_start3A_81 = tpu.memref_slice %arg4[%add3A_76, %dma_start3A_80] : memref<16384x128xf32, #tpu.memory_space<hbm>> -> memref<64x128xf32, #tpu.memory_space<hbm>>
    %dma_start3A_82 = arith.constant 0 : i32
    %dma_start3A_83 = tpu.memref_slice %arg4[%add3A_76, %dma_start3A_82] : memref<16384x128xf32, #tpu.memory_space<hbm>> -> memref<64x128xf32, #tpu.memory_space<hbm>>
    %dma_start3A_84 = arith.constant 0 : i32
    %dma_start3A_85 = arith.constant 0 : i32
    %dma_start3A_86 = tpu.memref_slice %arg6[%dma_start3A_84, %dma_start3A_85] : memref<512x128xf32, #tpu.memory_space<vmem>> -> memref<64x128xf32, #tpu.memory_space<vmem>>
    tpu.enqueue_dma source(%dma_start3A_86 : memref<64x128xf32, #tpu.memory_space<vmem>>) target(%dma_start3A_83 : memref<64x128xf32, #tpu.memory_space<hbm>>) target_semaphore(%arg9 : memref<!tpu.dma_semaphore, #tpu.memory_space<semaphore_mem>>)
    %dma_wait3A_87 = arith.constant 64 : i32
    %dma_wait3A_88 = arith.constant 0 : i32
    %dma_wait3A_89 = tpu.memref_slice %arg6[%dma_wait3A_87, %dma_wait3A_88] : memref<512x128xf32, #tpu.memory_space<vmem>> -> memref<64x128xf32, #tpu.memory_space<vmem>>
    %dma_wait3A_90 = arith.constant 64 : i32
    %dma_wait3A_91 = tpu.memref_slice %arg5[%dma_wait3A_90] : memref<512xi32, #tpu.memory_space<vmem>> -> memref<64xi32, #tpu.memory_space<vmem>>
    %dma_wait3A_92 = arith.constant 0 : i32
    %dma_wait3A_93 = arith.constant 0 : i32
    %dma_wait3A_94 = tpu.memref_slice %arg7[%dma_wait3A_92, %dma_wait3A_93] : memref<1000x128xf32, #tpu.memory_space<vmem_shared>> -> memref<1000x128xf32, #tpu.memory_space<vmem_shared>>
    tpu.wait_indirect_dma semaphore(%arg8 : memref<!tpu.dma_semaphore, #tpu.memory_space<semaphore_mem>>) src(%dma_wait3A_94 : memref<1000x128xf32, #tpu.memory_space<vmem_shared>>) dst(%dma_wait3A_89 : memref<64x128xf32, #tpu.memory_space<vmem>>)
    %add3A_95 = arith.constant 64 : i32
    %add3A_96 = arith.addi %mul3A_2, %add3A_95 : i32
    %dma_start3A_97 = arith.constant 64 : i32
    %dma_start3A_98 = arith.constant 0 : i32
    %dma_start3A_99 = tpu.memref_slice %arg6[%dma_start3A_97, %dma_start3A_98] : memref<512x128xf32, #tpu.memory_space<vmem>> -> memref<64x128xf32, #tpu.memory_space<vmem>>
    %dma_start3A_100 = arith.constant 0 : i32
    %dma_start3A_101 = tpu.memref_slice %arg4[%add3A_96, %dma_start3A_100] : memref<16384x128xf32, #tpu.memory_space<hbm>> -> memref<64x128xf32, #tpu.memory_space<hbm>>
    %dma_start3A_102 = arith.constant 0 : i32
    %dma_start3A_103 = tpu.memref_slice %arg4[%add3A_96, %dma_start3A_102] : memref<16384x128xf32, #tpu.memory_space<hbm>> -> memref<64x128xf32, #tpu.memory_space<hbm>>
    %dma_start3A_104 = arith.constant 64 : i32
    %dma_start3A_105 = arith.constant 0 : i32
    %dma_start3A_106 = tpu.memref_slice %arg6[%dma_start3A_104, %dma_start3A_105] : memref<512x128xf32, #tpu.memory_space<vmem>> -> memref<64x128xf32, #tpu.memory_space<vmem>>
    tpu.enqueue_dma source(%dma_start3A_106 : memref<64x128xf32, #tpu.memory_space<vmem>>) target(%dma_start3A_103 : memref<64x128xf32, #tpu.memory_space<hbm>>) target_semaphore(%arg9 : memref<!tpu.dma_semaphore, #tpu.memory_space<semaphore_mem>>)
    %dma_wait3A_107 = arith.constant 128 : i32
    %dma_wait3A_108 = arith.constant 0 : i32
    %dma_wait3A_109 = tpu.memref_slice %arg6[%dma_wait3A_107, %dma_wait3A_108] : memref<512x128xf32, #tpu.memory_space<vmem>> -> memref<64x128xf32, #tpu.memory_space<vmem>>
    %dma_wait3A_110 = arith.constant 128 : i32
    %dma_wait3A_111 = tpu.memref_slice %arg5[%dma_wait3A_110] : memref<512xi32, #tpu.memory_space<vmem>> -> memref<64xi32, #tpu.memory_space<vmem>>
    %dma_wait3A_112 = arith.constant 0 : i32
    %dma_wait3A_113 = arith.constant 0 : i32
    %dma_wait3A_114 = tpu.memref_slice %arg7[%dma_wait3A_112, %dma_wait3A_113] : memref<1000x128xf32, #tpu.memory_space<vmem_shared>> -> memref<1000x128xf32, #tpu.memory_space<vmem_shared>>
    tpu.wait_indirect_dma semaphore(%arg8 : memref<!tpu.dma_semaphore, #tpu.memory_space<semaphore_mem>>) src(%dma_wait3A_114 : memref<1000x128xf32, #tpu.memory_space<vmem_shared>>) dst(%dma_wait3A_109 : memref<64x128xf32, #tpu.memory_space<vmem>>)
    %add3A_115 = arith.constant 128 : i32
    %add3A_116 = arith.addi %mul3A_2, %add3A_115 : i32
    %dma_start3A_117 = arith.constant 128 : i32
    %dma_start3A_118 = arith.constant 0 : i32
    %dma_start3A_119 = tpu.memref_slice %arg6[%dma_start3A_117, %dma_start3A_118] : memref<512x128xf32, #tpu.memory_space<vmem>> -> memref<64x128xf32, #tpu.memory_space<vmem>>
    %dma_start3A_120 = arith.constant 0 : i32
    %dma_start3A_121 = tpu.memref_slice %arg4[%add3A_116, %dma_start3A_120] : memref<16384x128xf32, #tpu.memory_space<hbm>> -> memref<64x128xf32, #tpu.memory_space<hbm>>
    %dma_start3A_122 = arith.constant 0 : i32
    %dma_start3A_123 = tpu.memref_slice %arg4[%add3A_116, %dma_start3A_122] : memref<16384x128xf32, #tpu.memory_space<hbm>> -> memref<64x128xf32, #tpu.memory_space<hbm>>
    %dma_start3A_124 = arith.constant 128 : i32
    %dma_start3A_125 = arith.constant 0 : i32
    %dma_start3A_126 = tpu.memref_slice %arg6[%dma_start3A_124, %dma_start3A_125] : memref<512x128xf32, #tpu.memory_space<vmem>> -> memref<64x128xf32, #tpu.memory_space<vmem>>
    tpu.enqueue_dma source(%dma_start3A_126 : memref<64x128xf32, #tpu.memory_space<vmem>>) target(%dma_start3A_123 : memref<64x128xf32, #tpu.memory_space<hbm>>) target_semaphore(%arg9 : memref<!tpu.dma_semaphore, #tpu.memory_space<semaphore_mem>>)
    %dma_wait3A_127 = arith.constant 192 : i32
    %dma_wait3A_128 = arith.constant 0 : i32
    %dma_wait3A_129 = tpu.memref_slice %arg6[%dma_wait3A_127, %dma_wait3A_128] : memref<512x128xf32, #tpu.memory_space<vmem>> -> memref<64x128xf32, #tpu.memory_space<vmem>>
    %dma_wait3A_130 = arith.constant 192 : i32
    %dma_wait3A_131 = tpu.memref_slice %arg5[%dma_wait3A_130] : memref<512xi32, #tpu.memory_space<vmem>> -> memref<64xi32, #tpu.memory_space<vmem>>
    %dma_wait3A_132 = arith.constant 0 : i32
    %dma_wait3A_133 = arith.constant 0 : i32
    %dma_wait3A_134 = tpu.memref_slice %arg7[%dma_wait3A_132, %dma_wait3A_133] : memref<1000x128xf32, #tpu.memory_space<vmem_shared>> -> memref<1000x128xf32, #tpu.memory_space<vmem_shared>>
    tpu.wait_indirect_dma semaphore(%arg8 : memref<!tpu.dma_semaphore, #tpu.memory_space<semaphore_mem>>) src(%dma_wait3A_134 : memref<1000x128xf32, #tpu.memory_space<vmem_shared>>) dst(%dma_wait3A_129 : memref<64x128xf32, #tpu.memory_space<vmem>>)
    %add3A_135 = arith.constant 192 : i32
    %add3A_136 = arith.addi %mul3A_2, %add3A_135 : i32
    %dma_start3A_137 = arith.constant 192 : i32
    %dma_start3A_138 = arith.constant 0 : i32
    %dma_start3A_139 = tpu.memref_slice %arg6[%dma_start3A_137, %dma_start3A_138] : memref<512x128xf32, #tpu.memory_space<vmem>> -> memref<64x128xf32, #tpu.memory_space<vmem>>
    %dma_start3A_140 = arith.constant 0 : i32
    %dma_start3A_141 = tpu.memref_slice %arg4[%add3A_136, %dma_start3A_140] : memref<16384x128xf32, #tpu.memory_space<hbm>> -> memref<64x128xf32, #tpu.memory_space<hbm>>
    %dma_start3A_142 = arith.constant 0 : i32
    %dma_start3A_143 = tpu.memref_slice %arg4[%add3A_136, %dma_start3A_142] : memref<16384x128xf32, #tpu.memory_space<hbm>> -> memref<64x128xf32, #tpu.memory_space<hbm>>
    %dma_start3A_144 = arith.constant 192 : i32
    %dma_start3A_145 = arith.constant 0 : i32
    %dma_start3A_146 = tpu.memref_slice %arg6[%dma_start3A_144, %dma_start3A_145] : memref<512x128xf32, #tpu.memory_space<vmem>> -> memref<64x128xf32, #tpu.memory_space<vmem>>
    tpu.enqueue_dma source(%dma_start3A_146 : memref<64x128xf32, #tpu.memory_space<vmem>>) target(%dma_start3A_143 : memref<64x128xf32, #tpu.memory_space<hbm>>) target_semaphore(%arg9 : memref<!tpu.dma_semaphore, #tpu.memory_space<semaphore_mem>>)
    %dma_wait3A_147 = arith.constant 256 : i32
    %dma_wait3A_148 = arith.constant 0 : i32
    %dma_wait3A_149 = tpu.memref_slice %arg6[%dma_wait3A_147, %dma_wait3A_148] : memref<512x128xf32, #tpu.memory_space<vmem>> -> memref<64x128xf32, #tpu.memory_space<vmem>>
    %dma_wait3A_150 = arith.constant 256 : i32
    %dma_wait3A_151 = tpu.memref_slice %arg5[%dma_wait3A_150] : memref<512xi32, #tpu.memory_space<vmem>> -> memref<64xi32, #tpu.memory_space<vmem>>
    %dma_wait3A_152 = arith.constant 0 : i32
    %dma_wait3A_153 = arith.constant 0 : i32
    %dma_wait3A_154 = tpu.memref_slice %arg7[%dma_wait3A_152, %dma_wait3A_153] : memref<1000x128xf32, #tpu.memory_space<vmem_shared>> -> memref<1000x128xf32, #tpu.memory_space<vmem_shared>>
    tpu.wait_indirect_dma semaphore(%arg8 : memref<!tpu.dma_semaphore, #tpu.memory_space<semaphore_mem>>) src(%dma_wait3A_154 : memref<1000x128xf32, #tpu.memory_space<vmem_shared>>) dst(%dma_wait3A_149 : memref<64x128xf32, #tpu.memory_space<vmem>>)
    %add3A_155 = arith.constant 256 : i32
    %add3A_156 = arith.addi %mul3A_2, %add3A_155 : i32
    %dma_start3A_157 = arith.constant 256 : i32
    %dma_start3A_158 = arith.constant 0 : i32
    %dma_start3A_159 = tpu.memref_slice %arg6[%dma_start3A_157, %dma_start3A_158] : memref<512x128xf32, #tpu.memory_space<vmem>> -> memref<64x128xf32, #tpu.memory_space<vmem>>
    %dma_start3A_160 = arith.constant 0 : i32
    %dma_start3A_161 = tpu.memref_slice %arg4[%add3A_156, %dma_start3A_160] : memref<16384x128xf32, #tpu.memory_space<hbm>> -> memref<64x128xf32, #tpu.memory_space<hbm>>
    %dma_start3A_162 = arith.constant 0 : i32
    %dma_start3A_163 = tpu.memref_slice %arg4[%add3A_156, %dma_start3A_162] : memref<16384x128xf32, #tpu.memory_space<hbm>> -> memref<64x128xf32, #tpu.memory_space<hbm>>
    %dma_start3A_164 = arith.constant 256 : i32
    %dma_start3A_165 = arith.constant 0 : i32
    %dma_start3A_166 = tpu.memref_slice %arg6[%dma_start3A_164, %dma_start3A_165] : memref<512x128xf32, #tpu.memory_space<vmem>> -> memref<64x128xf32, #tpu.memory_space<vmem>>
    tpu.enqueue_dma source(%dma_start3A_166 : memref<64x128xf32, #tpu.memory_space<vmem>>) target(%dma_start3A_163 : memref<64x128xf32, #tpu.memory_space<hbm>>) target_semaphore(%arg9 : memref<!tpu.dma_semaphore, #tpu.memory_space<semaphore_mem>>)
    %dma_wait3A_167 = arith.constant 320 : i32
    %dma_wait3A_168 = arith.constant 0 : i32
    %dma_wait3A_169 = tpu.memref_slice %arg6[%dma_wait3A_167, %dma_wait3A_168] : memref<512x128xf32, #tpu.memory_space<vmem>> -> memref<64x128xf32, #tpu.memory_space<vmem>>
    %dma_wait3A_170 = arith.constant 320 : i32
    %dma_wait3A_171 = tpu.memref_slice %arg5[%dma_wait3A_170] : memref<512xi32, #tpu.memory_space<vmem>> -> memref<64xi32, #tpu.memory_space<vmem>>
    %dma_wait3A_172 = arith.constant 0 : i32
    %dma_wait3A_173 = arith.constant 0 : i32
    %dma_wait3A_174 = tpu.memref_slice %arg7[%dma_wait3A_172, %dma_wait3A_173] : memref<1000x128xf32, #tpu.memory_space<vmem_shared>> -> memref<1000x128xf32, #tpu.memory_space<vmem_shared>>
    tpu.wait_indirect_dma semaphore(%arg8 : memref<!tpu.dma_semaphore, #tpu.memory_space<semaphore_mem>>) src(%dma_wait3A_174 : memref<1000x128xf32, #tpu.memory_space<vmem_shared>>) dst(%dma_wait3A_169 : memref<64x128xf32, #tpu.memory_space<vmem>>)
    %add3A_175 = arith.constant 320 : i32
    %add3A_176 = arith.addi %mul3A_2, %add3A_175 : i32
    %dma_start3A_177 = arith.constant 320 : i32
    %dma_start3A_178 = arith.constant 0 : i32
    %dma_start3A_179 = tpu.memref_slice %arg6[%dma_start3A_177, %dma_start3A_178] : memref<512x128xf32, #tpu.memory_space<vmem>> -> memref<64x128xf32, #tpu.memory_space<vmem>>
    %dma_start3A_180 = arith.constant 0 : i32
    %dma_start3A_181 = tpu.memref_slice %arg4[%add3A_176, %dma_start3A_180] : memref<16384x128xf32, #tpu.memory_space<hbm>> -> memref<64x128xf32, #tpu.memory_space<hbm>>
    %dma_start3A_182 = arith.constant 0 : i32
    %dma_start3A_183 = tpu.memref_slice %arg4[%add3A_176, %dma_start3A_182] : memref<16384x128xf32, #tpu.memory_space<hbm>> -> memref<64x128xf32, #tpu.memory_space<hbm>>
    %dma_start3A_184 = arith.constant 320 : i32
    %dma_start3A_185 = arith.constant 0 : i32
    %dma_start3A_186 = tpu.memref_slice %arg6[%dma_start3A_184, %dma_start3A_185] : memref<512x128xf32, #tpu.memory_space<vmem>> -> memref<64x128xf32, #tpu.memory_space<vmem>>
    tpu.enqueue_dma source(%dma_start3A_186 : memref<64x128xf32, #tpu.memory_space<vmem>>) target(%dma_start3A_183 : memref<64x128xf32, #tpu.memory_space<hbm>>) target_semaphore(%arg9 : memref<!tpu.dma_semaphore, #tpu.memory_space<semaphore_mem>>)
    %dma_wait3A_187 = arith.constant 384 : i32
    %dma_wait3A_188 = arith.constant 0 : i32
    %dma_wait3A_189 = tpu.memref_slice %arg6[%dma_wait3A_187, %dma_wait3A_188] : memref<512x128xf32, #tpu.memory_space<vmem>> -> memref<64x128xf32, #tpu.memory_space<vmem>>
    %dma_wait3A_190 = arith.constant 384 : i32
    %dma_wait3A_191 = tpu.memref_slice %arg5[%dma_wait3A_190] : memref<512xi32, #tpu.memory_space<vmem>> -> memref<64xi32, #tpu.memory_space<vmem>>
    %dma_wait3A_192 = arith.constant 0 : i32
    %dma_wait3A_193 = arith.constant 0 : i32
    %dma_wait3A_194 = tpu.memref_slice %arg7[%dma_wait3A_192, %dma_wait3A_193] : memref<1000x128xf32, #tpu.memory_space<vmem_shared>> -> memref<1000x128xf32, #tpu.memory_space<vmem_shared>>
    tpu.wait_indirect_dma semaphore(%arg8 : memref<!tpu.dma_semaphore, #tpu.memory_space<semaphore_mem>>) src(%dma_wait3A_194 : memref<1000x128xf32, #tpu.memory_space<vmem_shared>>) dst(%dma_wait3A_189 : memref<64x128xf32, #tpu.memory_space<vmem>>)
    %add3A_195 = arith.constant 384 : i32
    %add3A_196 = arith.addi %mul3A_2, %add3A_195 : i32
    %dma_start3A_197 = arith.constant 384 : i32
    %dma_start3A_198 = arith.constant 0 : i32
    %dma_start3A_199 = tpu.memref_slice %arg6[%dma_start3A_197, %dma_start3A_198] : memref<512x128xf32, #tpu.memory_space<vmem>> -> memref<64x128xf32, #tpu.memory_space<vmem>>
    %dma_start3A_200 = arith.constant 0 : i32
    %dma_start3A_201 = tpu.memref_slice %arg4[%add3A_196, %dma_start3A_200] : memref<16384x128xf32, #tpu.memory_space<hbm>> -> memref<64x128xf32, #tpu.memory_space<hbm>>
    %dma_start3A_202 = arith.constant 0 : i32
    %dma_start3A_203 = tpu.memref_slice %arg4[%add3A_196, %dma_start3A_202] : memref<16384x128xf32, #tpu.memory_space<hbm>> -> memref<64x128xf32, #tpu.memory_space<hbm>>
    %dma_start3A_204 = arith.constant 384 : i32
    %dma_start3A_205 = arith.constant 0 : i32
    %dma_start3A_206 = tpu.memref_slice %arg6[%dma_start3A_204, %dma_start3A_205] : memref<512x128xf32, #tpu.memory_space<vmem>> -> memref<64x128xf32, #tpu.memory_space<vmem>>
    tpu.enqueue_dma source(%dma_start3A_206 : memref<64x128xf32, #tpu.memory_space<vmem>>) target(%dma_start3A_203 : memref<64x128xf32, #tpu.memory_space<hbm>>) target_semaphore(%arg9 : memref<!tpu.dma_semaphore, #tpu.memory_space<semaphore_mem>>)
    %dma_wait3A_207 = arith.constant 448 : i32
    %dma_wait3A_208 = arith.constant 0 : i32
    %dma_wait3A_209 = tpu.memref_slice %arg6[%dma_wait3A_207, %dma_wait3A_208] : memref<512x128xf32, #tpu.memory_space<vmem>> -> memref<64x128xf32, #tpu.memory_space<vmem>>
    %dma_wait3A_210 = arith.constant 448 : i32
    %dma_wait3A_211 = tpu.memref_slice %arg5[%dma_wait3A_210] : memref<512xi32, #tpu.memory_space<vmem>> -> memref<64xi32, #tpu.memory_space<vmem>>
    %dma_wait3A_212 = arith.constant 0 : i32
    %dma_wait3A_213 = arith.constant 0 : i32
    %dma_wait3A_214 = tpu.memref_slice %arg7[%dma_wait3A_212, %dma_wait3A_213] : memref<1000x128xf32, #tpu.memory_space<vmem_shared>> -> memref<1000x128xf32, #tpu.memory_space<vmem_shared>>
    tpu.wait_indirect_dma semaphore(%arg8 : memref<!tpu.dma_semaphore, #tpu.memory_space<semaphore_mem>>) src(%dma_wait3A_214 : memref<1000x128xf32, #tpu.memory_space<vmem_shared>>) dst(%dma_wait3A_209 : memref<64x128xf32, #tpu.memory_space<vmem>>)
    %add3A_215 = arith.constant 448 : i32
    %add3A_216 = arith.addi %mul3A_2, %add3A_215 : i32
    %dma_start3A_217 = arith.constant 448 : i32
    %dma_start3A_218 = arith.constant 0 : i32
    %dma_start3A_219 = tpu.memref_slice %arg6[%dma_start3A_217, %dma_start3A_218] : memref<512x128xf32, #tpu.memory_space<vmem>> -> memref<64x128xf32, #tpu.memory_space<vmem>>
    %dma_start3A_220 = arith.constant 0 : i32
    %dma_start3A_221 = tpu.memref_slice %arg4[%add3A_216, %dma_start3A_220] : memref<16384x128xf32, #tpu.memory_space<hbm>> -> memref<64x128xf32, #tpu.memory_space<hbm>>
    %dma_start3A_222 = arith.constant 0 : i32
    %dma_start3A_223 = tpu.memref_slice %arg4[%add3A_216, %dma_start3A_222] : memref<16384x128xf32, #tpu.memory_space<hbm>> -> memref<64x128xf32, #tpu.memory_space<hbm>>
    %dma_start3A_224 = arith.constant 448 : i32
    %dma_start3A_225 = arith.constant 0 : i32
    %dma_start3A_226 = tpu.memref_slice %arg6[%dma_start3A_224, %dma_start3A_225] : memref<512x128xf32, #tpu.memory_space<vmem>> -> memref<64x128xf32, #tpu.memory_space<vmem>>
    tpu.enqueue_dma source(%dma_start3A_226 : memref<64x128xf32, #tpu.memory_space<vmem>>) target(%dma_start3A_223 : memref<64x128xf32, #tpu.memory_space<hbm>>) target_semaphore(%arg9 : memref<!tpu.dma_semaphore, #tpu.memory_space<semaphore_mem>>)
    %dma_wait3A_227 = arith.constant 0 : i32
    %dma_wait3A_228 = arith.constant 0 : i32
    %dma_wait3A_229 = tpu.memref_slice %arg6[%dma_wait3A_227, %dma_wait3A_228] : memref<512x128xf32, #tpu.memory_space<vmem>> -> memref<64x128xf32, #tpu.memory_space<vmem>>
    %dma_wait3A_230 = arith.constant 0 : i32
    %dma_wait3A_231 = tpu.memref_slice %arg4[%add3A_76, %dma_wait3A_230] : memref<16384x128xf32, #tpu.memory_space<hbm>> -> memref<64x128xf32, #tpu.memory_space<hbm>>
    %dma_wait3A_232 = arith.constant 0 : i32
    %dma_wait3A_233 = tpu.memref_slice %arg4[%add3A_76, %dma_wait3A_232] : memref<16384x128xf32, #tpu.memory_space<hbm>> -> memref<64x128xf32, #tpu.memory_space<hbm>>
    %dma_wait3A_234 = arith.constant 0 : i32
    %dma_wait3A_235 = arith.constant 0 : i32
    %dma_wait3A_236 = tpu.memref_slice %arg6[%dma_wait3A_234, %dma_wait3A_235] : memref<512x128xf32, #tpu.memory_space<vmem>> -> memref<64x128xf32, #tpu.memory_space<vmem>>
    tpu.wait_dma2 semaphore(%arg9 : memref<!tpu.dma_semaphore, #tpu.memory_space<semaphore_mem>>) src(%dma_wait3A_236 : memref<64x128xf32, #tpu.memory_space<vmem>>) dst(%dma_wait3A_233 : memref<64x128xf32, #tpu.memory_space<hbm>>)
    %dma_wait3A_237 = arith.constant 64 : i32
    %dma_wait3A_238 = arith.constant 0 : i32
    %dma_wait3A_239 = tpu.memref_slice %arg6[%dma_wait3A_237, %dma_wait3A_238] : memref<512x128xf32, #tpu.memory_space<vmem>> -> memref<64x128xf32, #tpu.memory_space<vmem>>
    %dma_wait3A_240 = arith.constant 0 : i32
    %dma_wait3A_241 = tpu.memref_slice %arg4[%add3A_96, %dma_wait3A_240] : memref<16384x128xf32, #tpu.memory_space<hbm>> -> memref<64x128xf32, #tpu.memory_space<hbm>>
    %dma_wait3A_242 = arith.constant 0 : i32
    %dma_wait3A_243 = tpu.memref_slice %arg4[%add3A_96, %dma_wait3A_242] : memref<16384x128xf32, #tpu.memory_space<hbm>> -> memref<64x128xf32, #tpu.memory_space<hbm>>
    %dma_wait3A_244 = arith.constant 64 : i32
    %dma_wait3A_245 = arith.constant 0 : i32
    %dma_wait3A_246 = tpu.memref_slice %arg6[%dma_wait3A_244, %dma_wait3A_245] : memref<512x128xf32, #tpu.memory_space<vmem>> -> memref<64x128xf32, #tpu.memory_space<vmem>>
    tpu.wait_dma2 semaphore(%arg9 : memref<!tpu.dma_semaphore, #tpu.memory_space<semaphore_mem>>) src(%dma_wait3A_246 : memref<64x128xf32, #tpu.memory_space<vmem>>) dst(%dma_wait3A_243 : memref<64x128xf32, #tpu.memory_space<hbm>>)
    %dma_wait3A_247 = arith.constant 128 : i32
    %dma_wait3A_248 = arith.constant 0 : i32
    %dma_wait3A_249 = tpu.memref_slice %arg6[%dma_wait3A_247, %dma_wait3A_248] : memref<512x128xf32, #tpu.memory_space<vmem>> -> memref<64x128xf32, #tpu.memory_space<vmem>>
    %dma_wait3A_250 = arith.constant 0 : i32
    %dma_wait3A_251 = tpu.memref_slice %arg4[%add3A_116, %dma_wait3A_250] : memref<16384x128xf32, #tpu.memory_space<hbm>> -> memref<64x128xf32, #tpu.memory_space<hbm>>
    %dma_wait3A_252 = arith.constant 0 : i32
    %dma_wait3A_253 = tpu.memref_slice %arg4[%add3A_116, %dma_wait3A_252] : memref<16384x128xf32, #tpu.memory_space<hbm>> -> memref<64x128xf32, #tpu.memory_space<hbm>>
    %dma_wait3A_254 = arith.constant 128 : i32
    %dma_wait3A_255 = arith.constant 0 : i32
    %dma_wait3A_256 = tpu.memref_slice %arg6[%dma_wait3A_254, %dma_wait3A_255] : memref<512x128xf32, #tpu.memory_space<vmem>> -> memref<64x128xf32, #tpu.memory_space<vmem>>
    tpu.wait_dma2 semaphore(%arg9 : memref<!tpu.dma_semaphore, #tpu.memory_space<semaphore_mem>>) src(%dma_wait3A_256 : memref<64x128xf32, #tpu.memory_space<vmem>>) dst(%dma_wait3A_253 : memref<64x128xf32, #tpu.memory_space<hbm>>)
    %dma_wait3A_257 = arith.constant 192 : i32
    %dma_wait3A_258 = arith.constant 0 : i32
    %dma_wait3A_259 = tpu.memref_slice %arg6[%dma_wait3A_257, %dma_wait3A_258] : memref<512x128xf32, #tpu.memory_space<vmem>> -> memref<64x128xf32, #tpu.memory_space<vmem>>
    %dma_wait3A_260 = arith.constant 0 : i32
    %dma_wait3A_261 = tpu.memref_slice %arg4[%add3A_136, %dma_wait3A_260] : memref<16384x128xf32, #tpu.memory_space<hbm>> -> memref<64x128xf32, #tpu.memory_space<hbm>>
    %dma_wait3A_262 = arith.constant 0 : i32
    %dma_wait3A_263 = tpu.memref_slice %arg4[%add3A_136, %dma_wait3A_262] : memref<16384x128xf32, #tpu.memory_space<hbm>> -> memref<64x128xf32, #tpu.memory_space<hbm>>
    %dma_wait3A_264 = arith.constant 192 : i32
    %dma_wait3A_265 = arith.constant 0 : i32
    %dma_wait3A_266 = tpu.memref_slice %arg6[%dma_wait3A_264, %dma_wait3A_265] : memref<512x128xf32, #tpu.memory_space<vmem>> -> memref<64x128xf32, #tpu.memory_space<vmem>>
    tpu.wait_dma2 semaphore(%arg9 : memref<!tpu.dma_semaphore, #tpu.memory_space<semaphore_mem>>) src(%dma_wait3A_266 : memref<64x128xf32, #tpu.memory_space<vmem>>) dst(%dma_wait3A_263 : memref<64x128xf32, #tpu.memory_space<hbm>>)
    %dma_wait3A_267 = arith.constant 256 : i32
    %dma_wait3A_268 = arith.constant 0 : i32
    %dma_wait3A_269 = tpu.memref_slice %arg6[%dma_wait3A_267, %dma_wait3A_268] : memref<512x128xf32, #tpu.memory_space<vmem>> -> memref<64x128xf32, #tpu.memory_space<vmem>>
    %dma_wait3A_270 = arith.constant 0 : i32
    %dma_wait3A_271 = tpu.memref_slice %arg4[%add3A_156, %dma_wait3A_270] : memref<16384x128xf32, #tpu.memory_space<hbm>> -> memref<64x128xf32, #tpu.memory_space<hbm>>
    %dma_wait3A_272 = arith.constant 0 : i32
    %dma_wait3A_273 = tpu.memref_slice %arg4[%add3A_156, %dma_wait3A_272] : memref<16384x128xf32, #tpu.memory_space<hbm>> -> memref<64x128xf32, #tpu.memory_space<hbm>>
    %dma_wait3A_274 = arith.constant 256 : i32
    %dma_wait3A_275 = arith.constant 0 : i32
    %dma_wait3A_276 = tpu.memref_slice %arg6[%dma_wait3A_274, %dma_wait3A_275] : memref<512x128xf32, #tpu.memory_space<vmem>> -> memref<64x128xf32, #tpu.memory_space<vmem>>
    tpu.wait_dma2 semaphore(%arg9 : memref<!tpu.dma_semaphore, #tpu.memory_space<semaphore_mem>>) src(%dma_wait3A_276 : memref<64x128xf32, #tpu.memory_space<vmem>>) dst(%dma_wait3A_273 : memref<64x128xf32, #tpu.memory_space<hbm>>)
    %dma_wait3A_277 = arith.constant 320 : i32
    %dma_wait3A_278 = arith.constant 0 : i32
    %dma_wait3A_279 = tpu.memref_slice %arg6[%dma_wait3A_277, %dma_wait3A_278] : memref<512x128xf32, #tpu.memory_space<vmem>> -> memref<64x128xf32, #tpu.memory_space<vmem>>
    %dma_wait3A_280 = arith.constant 0 : i32
    %dma_wait3A_281 = tpu.memref_slice %arg4[%add3A_176, %dma_wait3A_280] : memref<16384x128xf32, #tpu.memory_space<hbm>> -> memref<64x128xf32, #tpu.memory_space<hbm>>
    %dma_wait3A_282 = arith.constant 0 : i32
    %dma_wait3A_283 = tpu.memref_slice %arg4[%add3A_176, %dma_wait3A_282] : memref<16384x128xf32, #tpu.memory_space<hbm>> -> memref<64x128xf32, #tpu.memory_space<hbm>>
    %dma_wait3A_284 = arith.constant 320 : i32
    %dma_wait3A_285 = arith.constant 0 : i32
    %dma_wait3A_286 = tpu.memref_slice %arg6[%dma_wait3A_284, %dma_wait3A_285] : memref<512x128xf32, #tpu.memory_space<vmem>> -> memref<64x128xf32, #tpu.memory_space<vmem>>
    tpu.wait_dma2 semaphore(%arg9 : memref<!tpu.dma_semaphore, #tpu.memory_space<semaphore_mem>>) src(%dma_wait3A_286 : memref<64x128xf32, #tpu.memory_space<vmem>>) dst(%dma_wait3A_283 : memref<64x128xf32, #tpu.memory_space<hbm>>)
    %dma_wait3A_287 = arith.constant 384 : i32
    %dma_wait3A_288 = arith.constant 0 : i32
    %dma_wait3A_289 = tpu.memref_slice %arg6[%dma_wait3A_287, %dma_wait3A_288] : memref<512x128xf32, #tpu.memory_space<vmem>> -> memref<64x128xf32, #tpu.memory_space<vmem>>
    %dma_wait3A_290 = arith.constant 0 : i32
    %dma_wait3A_291 = tpu.memref_slice %arg4[%add3A_196, %dma_wait3A_290] : memref<16384x128xf32, #tpu.memory_space<hbm>> -> memref<64x128xf32, #tpu.memory_space<hbm>>
    %dma_wait3A_292 = arith.constant 0 : i32
    %dma_wait3A_293 = tpu.memref_slice %arg4[%add3A_196, %dma_wait3A_292] : memref<16384x128xf32, #tpu.memory_space<hbm>> -> memref<64x128xf32, #tpu.memory_space<hbm>>
    %dma_wait3A_294 = arith.constant 384 : i32
    %dma_wait3A_295 = arith.constant 0 : i32
    %dma_wait3A_296 = tpu.memref_slice %arg6[%dma_wait3A_294, %dma_wait3A_295] : memref<512x128xf32, #tpu.memory_space<vmem>> -> memref<64x128xf32, #tpu.memory_space<vmem>>
    tpu.wait_dma2 semaphore(%arg9 : memref<!tpu.dma_semaphore, #tpu.memory_space<semaphore_mem>>) src(%dma_wait3A_296 : memref<64x128xf32, #tpu.memory_space<vmem>>) dst(%dma_wait3A_293 : memref<64x128xf32, #tpu.memory_space<hbm>>)
    %dma_wait3A_297 = arith.constant 448 : i32
    %dma_wait3A_298 = arith.constant 0 : i32
    %dma_wait3A_299 = tpu.memref_slice %arg6[%dma_wait3A_297, %dma_wait3A_298] : memref<512x128xf32, #tpu.memory_space<vmem>> -> memref<64x128xf32, #tpu.memory_space<vmem>>
    %dma_wait3A_300 = arith.constant 0 : i32
    %dma_wait3A_301 = tpu.memref_slice %arg4[%add3A_216, %dma_wait3A_300] : memref<16384x128xf32, #tpu.memory_space<hbm>> -> memref<64x128xf32, #tpu.memory_space<hbm>>
    %dma_wait3A_302 = arith.constant 0 : i32
    %dma_wait3A_303 = tpu.memref_slice %arg4[%add3A_216, %dma_wait3A_302] : memref<16384x128xf32, #tpu.memory_space<hbm>> -> memref<64x128xf32, #tpu.memory_space<hbm>>
    %dma_wait3A_304 = arith.constant 448 : i32
    %dma_wait3A_305 = arith.constant 0 : i32
    %dma_wait3A_306 = tpu.memref_slice %arg6[%dma_wait3A_304, %dma_wait3A_305] : memref<512x128xf32, #tpu.memory_space<vmem>> -> memref<64x128xf32, #tpu.memory_space<vmem>>
    tpu.wait_dma2 semaphore(%arg9 : memref<!tpu.dma_semaphore, #tpu.memory_space<semaphore_mem>>) src(%dma_wait3A_306 : memref<64x128xf32, #tpu.memory_space<vmem>>) dst(%dma_wait3A_303 : memref<64x128xf32, #tpu.memory_space<hbm>>)
    return
  }
}

</mosaic_0001>

<sc_bundles>
// kernel: kernel.3.cloned.1.call-start
scs
__scs_entry_jumppad:
0x0: {  	(pc) =	sbr.rel $0x88, $3  }
0x1: {  	(tag) =	ssettag $0x0;
	lr =	simm.s32 $0x1  }
0x2: {  	[smem:$0x3F9F] =	sst lr;
	_ =	strace $0xD0000000  }
0x3: {  	_ = 	snop  }
0x4: {  	_ = 	snop  }
0x5: {  	_ = 	snop  }
0x6: {  	_ = 	snop  }
0x7: {  	_ = 	snop  }
__scs_overlays_trampoline_lowered:
0x8: {  	[smem:$0x3FAE] =	sst s0  }
0x9: {  	[smem:$0x3FAF] =	sst s1  }
0xa: {  	[smem:$0x3FB0] =	sst s2  }
0xb: {  	[smem:$0x3FB1] =	sst s3  }
0xc: {  	[smem:$0x3FB2] =	sst s4  }
0xd: {  	[smem:$0x3FB3] =	sst s5  }
0xe: {  	[smem:$0x3FB4] =	sst s6  }
0xf: {  	[smem:$0x3FB5] =	sst s7  }
0x10: {  	[smem:$0x3FB6] =	sst s8  }
0x11: {  	[smem:$0x3FB7] =	sst s9;
	s0 =	simm.s32 @!p0 $0x0  }
0x12: {  	s1 =	sld [smem:$0x3F9D];
	s0 =	simm.s32 @p0 $0x1  }
0x13: {  	[smem:$0x3FB8] =	sst s0;
	s0 =	simm.s32 @!p1 $0x0  }
0x14: {  	s2 =	sld [smem:$0x3F9C];
	s0 =	simm.s32 @p1 $0x1  }
0x15: {  	[smem:$0x3FB9] =	sst s0;
	s0 =	simm.s32 @!p2 $0x0  }
0x16: {  	s3 =	sld [smem:$0x3FDB];
	s0 =	simm.s32 @p2 $0x1  }
0x17: {  	s4 =	simm.s32 $0x1BF5;
	[smem:$0x3FBB] =	sst s0  }
0x18: {  	s0 =	sld [smem:$0x3F9E];
	_ =	swait.ge [sflag:s4], $0x0  }
0x19: {  	s7 =	sld [smem:$0x3F9F]  }
0x1a: {  	s8 =	sadd.s32 $0xFFFFE003, lr  }
0x1b: {  	s9 =	sadd.s32 $0xFFFFFEF7, lr;
	s5 =	simm.s32 $0xFFFFFFFF;
	p2 =	slt.u32 s8, $0xFFFFF086  }
0x1c: {  	p1 =	slt.u32 s9, $0xF7A;
	s5 =	simm.s32 @!p2 $0x0  }
0x1d: {  	s5 =	simm.s32 @p1 $0x1;
	p0 =	seq.s32 s7, s2  }
0x1e: {  	s7 =	smul.u32 @!p0 $0xF7A, s2;
	p2 =	seq.s32 @!p0 s5, $0x0  }
0x1f: {  	s9 =	smul.u32 $0xF7A, s1;
	s8 =	simm.s32 @!p0 $0x1BF5;
	p2 =	por !p2, p0  }
0x20: {  	[sflag:s8] =	ssyncset.s32 @!p0 $0xFFFFF086;
	s6 =	sadd.s32 @!p0 s3, s7;
	s7 =	simm.s32 @!p0 $0x108  }
0x21: {  	s3 =	sadd.s32 s3, s9;
	s6 =	sadd.s32 @!p0 $0x88, s6;
	s7 =	simm.s32 @p2 $0x1082  }
0x22: {  	[simem:s7], [sflag:s8] =	dma.local @!p0 [hbm:s6], $0xF7A  }
0x23: {  	s9 =	sor.u32 $0xD0000000, s2;
	s6 =	simm.s32 $0x108;
	_ =	swait.ge @!p0 [sflag:s8], $0x0  }
0x24: {  	s3 =	sadd.s32 $0x88, s3;
	s6 =	simm.s32 @!p1 $0x1082;
	[sflag:s4] =	ssyncset.s32 $0xFFFFF086  }
0x25: {  	[simem:s6], [sflag:s4] =	dma.local [hbm:s3], $0xF7A  }
0x26: {  	[smem:$0x3F9F] =	sst s1;
	(tag) =	ssettag s2;
	_ =	strace s9  }
0x27: {  	s1 =	sld [smem:$0x3FAF]  }
0x28: {  	s2 =	sld [smem:$0x3FB0]  }
0x29: {  	s4 =	sld [smem:$0x3FB2]  }
0x2a: {  	p0 =	seq.s32 s5, $0x0;
	s5 =	sld [smem:$0x3FB3]  }
0x2b: {  	s6 =	sld [smem:$0x3FB4]  }
0x2c: {  	s7 =	sld [smem:$0x3FB5]  }
0x2d: {  	s3 =	simm.s32 $0x108;
	s8 =	sld [smem:$0x3FB6]  }
0x2e: {  	s3 =	simm.s32 @!p0 $0x1082;
	s9 =	sld [smem:$0x3FB7]  }
0x2f: {  	lr =	sadd.s32 s0, s3;
	s0 =	sld [smem:$0x3FAE]  }
0x30: {  	s3 =	sld [smem:$0x3FB1]  }
0x31: {  	[smem:$0x3FBA] =	sst s10  }
0x32: {  	s10 =	sld [smem:$0x3FB8];
	_ =	sdelay $0x3  }
0x33: {  	p0 =	seq.s32 s10, $0x1;
	s10 =	sld [smem:$0x3FBA];
	_ =	sdelay $0x3  }
0x34: {  	[smem:$0x3FBA] =	sst s10  }
0x35: {  	s10 =	sld [smem:$0x3FB9];
	_ =	sdelay $0x3  }
0x36: {  	p1 =	seq.s32 s10, $0x1;
	s10 =	sld [smem:$0x3FBA];
	_ =	sdelay $0x3  }
0x37: {  	[smem:$0x3FBA] =	sst s10  }
0x38: {  	s10 =	sld [smem:$0x3FBB]  }
0x39: {  	_ = 	snop;
	(pc) =	sbr.ind lr, $3  }
0x3a: {  	_ = 	snop  }
0x3b: {  	_ = 	snop  }
0x3c: {  	p2 =	seq.s32 s10, $0x1;
	s10 =	sld [smem:$0x3FBA]  }
0x3d: {  	_ =	shalt  }
0x3e: {  	_ =	shalt  }
0x3f: {  	_ =	shalt  }
0x40: {  	_ =	shalt  }
0x41: {  	_ =	shalt  }
0x42: {  	_ =	shalt  }
0x43: {  	_ =	shalt  }
0x44: {  	_ =	shalt  }
0x45: {  	_ =	shalt  }
0x46: {  	_ =	shalt  }
0x47: {  	_ =	shalt  }
0x48: {  	_ =	shalt  }
0x49: {  	_ =	shalt  }
0x4a: {  	_ =	shalt  }
0x4b: {  	_ =	shalt  }
0x4c: {  	_ =	shalt  }
0x4d: {  	_ =	shalt  }
0x4e: {  	_ =	shalt  }
0x4f: {  	_ =	shalt  }
0x50: {  	_ =	shalt  }
0x51: {  	_ =	shalt  }
0x52: {  	_ =	shalt  }
0x53: {  	_ =	shalt  }
0x54: {  	_ =	shalt  }
0x55: {  	_ =	shalt  }
0x56: {  	_ =	shalt  }
0x57: {  	_ =	shalt  }
0x58: {  	_ =	shalt  }
0x59: {  	_ =	shalt  }
0x5a: {  	_ =	shalt  }
0x5b: {  	_ =	shalt  }
0x5c: {  	_ =	shalt  }
0x5d: {  	_ =	shalt  }
0x5e: {  	_ =	shalt  }
0x5f: {  	_ =	shalt  }
0x60: {  	_ =	shalt  }
0x61: {  	_ =	shalt  }
0x62: {  	_ =	shalt  }
0x63: {  	_ =	shalt  }
0x64: {  	_ =	shalt  }
0x65: {  	_ =	shalt  }
0x66: {  	_ =	shalt  }
0x67: {  	_ =	shalt  }
0x68: {  	_ =	shalt  }
0x69: {  	_ =	shalt  }
0x6a: {  	_ =	shalt  }
0x6b: {  	_ =	shalt  }
0x6c: {  	_ =	shalt  }
0x6d: {  	_ =	shalt  }
0x6e: {  	_ =	shalt  }
0x6f: {  	_ =	shalt  }
0x70: {  	_ =	shalt  }
0x71: {  	_ =	shalt  }
0x72: {  	_ =	shalt  }
0x73: {  	_ =	shalt  }
0x74: {  	_ =	shalt  }
0x75: {  	_ =	shalt  }
0x76: {  	_ =	shalt  }
0x77: {  	_ =	shalt  }
0x78: {  	_ =	shalt  }
0x79: {  	_ =	shalt  }
0x7a: {  	_ =	shalt  }
0x7b: {  	_ =	shalt  }
0x7c: {  	_ =	shalt  }
0x7d: {  	_ =	shalt  }
0x7e: {  	_ =	shalt  }
0x7f: {  	_ =	shalt  }
0x80: {  	_ =	shalt  }
0x81: {  	_ =	shalt  }
0x82: {  	_ =	shalt  }
0x83: {  	_ =	shalt  }
0x84: {  	_ =	shalt  }
0x85: {  	_ =	shalt  }
0x86: {  	_ =	shalt  }
0x87: {  	_ =	shalt  }
.Lfunc_end0:
.L_simem_size_0:
called_computation_lowered:
.L_overlay_start_0:
0x88: {  	s2 =	sld [smem:$0x3FD9]  }
0x89: {  	s3 =	sld [smem:$0x3FFE];
	_ =	sdelay $0x1  }
0x8a: {  	s1 =	srdreg.scid  }
0x8b: {  	s0 =	sand.u32 $0x1, s1  }
0x8c: {  	s18 =	sshll.u32 s0, $0xA;
	s2 =	sadd.s32 s3, s2  }
0x8d: {  	s2 =	sadd.s32 s2, s18  }
0x8e: {  	[smem:$0x3FC6] =	sst s2  }
0x8f: {  	_ = 	snop  }
0x90: {  	s2 =	sld [smem:$0x3FC9]  }
0x91: {  	s19 =	sld [smem:$0x3FC8]  }
0x92: {  	s4 =	sld [smem:$0x3FD0];
	(tm) =	ssettm $0x1  }
0x93: {  	s5 =	sld [smem:$0x3FFB];
	_ =	sdelay $0x3  }
0x94: {  	_ =	strace s5  }
0x95: {  	s5 =	sld [smem:$0x3FFC];
	_ =	sdelay $0x3  }
0x96: {  	_ =	strace s5  }
0x97: {  	s5 =	sld [smem:$0x3FFD];
	_ =	sdelay $0x3  }
0x98: {  	_ =	strace s5  }
0x99: {  	_ =	strace $0x8FFFFFFF  }
0x9a: {  	s20 =	sld [smem:$0x3FDB];
	_ =	sdelay $0x1  }
0x9b: {  	s6 =	simm.s32 $_scs_section_size  }
0x9c: {  	s7 =	simm.s32 $_size__tile_overlayer_lowered;
	s8 =	simm.s32 $_tile_overlayer_lowered  }
0x9d: {  	s23 =	simm.s32 $0x1BFF;
	s22 =	sshll.u32 s8, $0x1;
	s5 =	sadd.s32 s6, s20  }
0x9e: {  	s9 =	simm.s32 $0x0;
	s21 =	sshll.u32 s7, $0x1;
	s7 =	sadd.s32 s22, s5  }
0x9f: {  	[timem:s9], [sflag:s23] =	dma.local [hbm:s7], s21  }
0xa0: {  	_ =	swait.ge [sflag:s23], s21  }
0xa1: {  	s6 =	ssub.s32 $0x0, s21;
	[sflag:s23] =	ssyncset.done $0x0  }
0xa2: {  	[sflag:s23] =	ssyncadd.s32 s6;
	_ =	sdelay $0x1  }
0xa3: {  	s24 =	simm.s32 $0x1B8B  }
0xa4: {  	_ =	swait.ge [sflag:s24], $0x1  }
0xa5: {  	[sflag:s24] =	ssyncset.done $0x0  }
0xa6: {  	s25 =	simm.s32 $0x1B8E;
	[sflag:s24] =	ssyncadd.s32 $0xFFFFFFFF  }
0xa7: {  	s26 =	simm.s32 $execute0_lowered;
	[smem:$0x3FD2] =	sst s25  }
0xa8: {  	s6 =	sshll.u32 s26, $0x1;
	_ =	strace $0x80000046;
	[dreg:$0x1] =	wrdreg $0xFFFFFFFF  }
0xa9: {  	s28 =	simm.s32 $_size_execute0_lowered;
	s5 =	sadd.s32 s5, s6;
	[dreg:$0x0] =	wrdreg $0x0  }
0xaa: {  	s6 =	sshll.u32 s28, $0x1;
	[dreg:$0x2] =	wrdreg s5  }
0xab: {  	[dreg:$0x3] =	wrdreg s6  }
0xac: {  	[dreg:$0x4] =	wrdreg $0xC0  }
0xad: {  	_ =	task [dreg:s9], $0x5FFFF  }
0xae: {  	[dreg:$0x1] =	wrdreg $0xFFFFFFFF  }
0xaf: {  	[dreg:$0x0] =	wrdreg $0x60  }
0xb0: {  	[dreg:$0x2] =	wrdreg s2  }
0xb1: {  	[dreg:$0x3] =	wrdreg s19  }
0xb2: {  	[dreg:$0x4] =	wrdreg s4  }
0xb3: {  	[dreg:$0x5] =	wrdreg $0x102000  }
0xb4: {  	[dreg:$0x6] =	wrdreg $0x9  }
0xb5: {  	_ =	task.clear_ibuf [dreg:s9], $0x7FFFF;
	_ =	strace $0x90000046  }
0xb6: {  	s29 =	simm.s32 $0x9;
	_ =	strace $0x80000048  }
0xb7: {  	_ =	swait.ge [sflag:s29], $0x1  }
0xb8: {  	[sflag:s29] =	ssyncadd.s32 $0xFFFFFFFF  }
0xb9: {  	_ =	strace $0x90000048  }
0xba: {  	_ =	sfence  }
0xbb: {  	s30 =	sld [smem:$0x0];
	_ =	sdelay $0x2  }
0xbc: {  	s31 =	sshll.u32 s1, $0xD;
	s1 =	sshrl.u32 s1, $0x2  }
0xbd: {  	s3 =	sand.u32 $0x4000, s31;
	s1 =	sadd.s32 s1, s30  }
0xbe: {  	s0 =	sor.u32 s3, s0;
	s1 =	sshll.u32 s1, $0x11  }
0xbf: {  	s0 =	sor.u32 s1, s0  }
0xc0: {  	s0 =	sadd.s32 $0x8F2B, s0  }
0xc1: {  	[sflag:s0] =	ssyncadd.remote.s32 $0x1  }
0xc2: {  	_ =	sfence.sel $0xFFFF  }
0xc3: {  	[dreg:$0x0] =	wrdreg $0xFFFFFFFF;
	(pc) =	sbr.abs _section_cstart, $3  }
0xc4: {  	[dreg:$0x1] =	wrdreg $0xFFFFFFFF  }
0xc5: {  	_ =	task.clear_ibuf [dreg:s9], $0x2FFFF;
	_ =	strace $0x9FFFFFFF  }
0xc6: {  	(tm) =	ssettm $0x7FFFFFFF  }
0xc7: {  	_ =	shalt  }
tec
execute0_lowered:
.L_overlay_start_1:
0x0: {  	(tag) =	ssettag $0x1  }
0x1: {  	s0 =	rddreg [dreg:$0x0]  }
0x2: {  	s1 =	rddreg [dreg:$0x1]  }
0x3: {  	s4 =	rddreg [dreg:$0x2]  }
0x4: {  	s3 =	rddreg [dreg:$0x3]  }
0x5: {  	s31 =	rddreg [dreg:$0x4]  }
0x6: {  	s2 =	simm.s32 $0x0;
	s5 =	srdreg.scid;
	s12 =	stileid.u32  }
0x7: {  	s20 =	simm.s32 $0x40;
	s19 =	simm.s32 $0x200;
	s18 =	simm.s32 $0x2200  }
0x8: {  	s21 =	simm.s32 $0x80;
	s17 =	simm.s32 $0x4200;
	s22 =	simm.s32 $0xC0  }
0x9: {  	s16 =	simm.s32 $0x6200;
	s23 =	simm.s32 $0x100;
	s15 =	simm.s32 $0x8200  }
0xa: {  	s29 =	simm.s32 $0x180;
	p1 =	por $0x0, $0x0;
	s30 =	simm.s32 $0x1C0  }
0xb: {  	[smem:$0x7FF] =	sst s2;
	s5 =	sand.u32 $0x1, s5;
	s25 =	smul.u32 $0xC80, s12  }
0xc: {  	s7 =	sshll.u32 s12, $0xA;
	s26 =	smul.u32 $0x19000, s12;
	p0 =	sgt.u32 s12, $0x4  }
0xd: {  	s6 =	ssub.s32 $0x2, s5;
	s5 =	sshll.u32 s5, $0x9;
	_ =	strace $0x80000047  }
0xe: {  	s8 =	sshrl.u32 s6, $0x1;
	s5 =	sor.u32 s5, s7;
	s7 =	sadd.s32 s1, s25  }
0xf: {  	s11 =	ssub.s32 s6, s8;
	s24 =	sshrl.u32 s5, $0x3;
	s5 =	sshll.u32 s5, $0x4  }
0x10: {  	s8 =	sshrl.u32 s26, $0x2;
	[dreg:$0x6] =	wrdreg s7;
	s26 =	simm.s32 $0x140  }
0x11: {  	s0 =	sadd.s32 s0, s24;
	s10 =	sadd.s32 s4, s5;
	s1 =	sadd.s32 s8, s3  }
0x12: {  	s14 =	smax.u32 s11, $0x1;
	s5 =	sshll.u32 @!p0 s12, $0x6;
	s24 =	simm.s32 $0x3  }
0x13: {  	s12 =	simm.s32 $0xA200;
	[dreg:$0x5] =	wrdreg s0;
	s0 =	sadd.s32 $0xFFFFFFFF, s14  }
0x14: {  	s11 =	simm.s32 $0xE200;
	s9 =	sadd.s32 $0x400, s10;
	p2 =	sne.s32 s0, $0x0  }
.Ltmp0:
0x15: {  	s13 =	sadd.s32 $0x800, s10;
	s8 =	sadd.s32 $0x1000, s10;
	(pc) =	sbr.rel @!p2 .LBB2_5-.Ltmp0, $4  }
0x16: {  	s7 =	sadd.s32 $0x1400, s10;
	s6 =	sadd.s32 $0x1800, s10;
	s4 =	sadd.s32 $0x1C00, s10  }
0x17: {  	s25 =	sor.u32 @!p0 $0x1C03, s5;
	s28 =	sshrl.u32 @!p0 s1, $0x3;
	[dreg:$0x7] =	wrdreg s9  }
0x18: {  	s14 =	simm.s32 $0x1;
	s5 =	simm.s32 $0x2;
	[dreg:$0x8] =	wrdreg s13  }
0x19: {  	s9 =	sadd.s32 $0xC00, s10;
	s13 =	simm.s32 $0xC200;
	s1 =	rddreg [dreg:$0x5]  }
0x1a: {  	[tilespmem:s2], [sflag:$0x3] =	stream.linear.gather [hbm4b:s1+s2], $0x200, $0x38;
	[tilespmem:$0x12140] =	vst v63  }
0x1b: {  	_ =	swait.ge [sflag:s24], $0x200  }
0x1c: {  	[sflag:s24] =	ssyncset.done $0x0  }
0x1d: {  	s31 =	simm.s32 @!p0 $0x3;
	s1 =	rddreg [dreg:$0x6];
	[sflag:s24] =	ssyncadd.s32 $0xFFFFFE00  }
0x1e: {  	[spmem:s28], [sflag:s25] =	dma.local @!p0 [hbm:s1], $0xC80  }
0x1f: {  	_ =	swait.ge @!p0 [sflag:s31], $0xC80  }
0x20: {  	[sflag:s31] =	ssyncset.done @!p0 $0x0  }
0x21: {  	[sflag:s31] =	ssyncadd.s32 @!p0 $0xFFFFF380  }
0x22: {  	[bflag:$0x0] =	sbarrier.arrive $0xFFFF  }
0x23: {  	[tilespmem:s19], [sflag:$0x1] =	stream.indirect.gather [spmem:s3], $0x80, s2, s20, $0xb8;
	[tilespmem:$0x12140] =	vst v63  }
0x24: {  	_ = 	snop  }
0x25: {  	[tilespmem:s18], [sflag:$0x1] =	stream.indirect.gather [spmem:s3], $0x80, s20, s20, $0xb8;
	[tilespmem:$0x12140] =	vst v63  }
0x26: {  	_ = 	snop  }
0x27: {  	[tilespmem:s17], [sflag:$0x1] =	stream.indirect.gather [spmem:s3], $0x80, s21, s20, $0xb8;
	[tilespmem:$0x12140] =	vst v63  }
0x28: {  	_ = 	snop  }
0x29: {  	[tilespmem:s16], [sflag:$0x1] =	stream.indirect.gather [spmem:s3], $0x80, s22, s20, $0xb8;
	[tilespmem:$0x12140] =	vst v63  }
0x2a: {  	_ = 	snop  }
0x2b: {  	[tilespmem:s15], [sflag:$0x1] =	stream.indirect.gather [spmem:s3], $0x80, s23, s20, $0xb8;
	[tilespmem:$0x12140] =	vst v63  }
0x2c: {  	_ = 	snop  }
0x2d: {  	[tilespmem:s12], [sflag:$0x1] =	stream.indirect.gather [spmem:s3], $0x80, s26, s20, $0xb8;
	[tilespmem:$0x12140] =	vst v63  }
0x2e: {  	_ = 	snop  }
0x2f: {  	[tilespmem:s13], [sflag:$0x1] =	stream.indirect.gather [spmem:s3], $0x80, s29, s20, $0xb8;
	[tilespmem:$0x12140] =	vst v63  }
0x30: {  	_ = 	snop  }
0x31: {  	[tilespmem:s11], [sflag:$0x1] =	stream.indirect.gather [spmem:s3], $0x80, s30, s20, $0xb8;
	[tilespmem:$0x12140] =	vst v63  }
0x32: {  	_ =	swait.ge [sflag:s14], $0x2000  }
0x33: {  	[sflag:s14] =	ssyncset.done $0x0  }
0x34: {  	[sflag:s14] =	ssyncadd.s32 $0xFFFFE000  }
0x35: {  	[hbm4b:s10+s2] =	stream.linear.scatter [tilespmem:s19], [sflag:$0x2], $0x2000, $0x38;
	[tilespmem:$0x12140] =	vst v63  }
0x36: {  	_ =	swait.ge [sflag:s14], $0x2000  }
0x37: {  	[sflag:s14] =	ssyncset.done $0x0  }
0x38: {  	s1 =	rddreg [dreg:$0x7];
	[sflag:s14] =	ssyncadd.s32 $0xFFFFE000  }
0x39: {  	[hbm4b:s1+s2] =	stream.linear.scatter [tilespmem:s18], [sflag:$0x2], $0x2000, $0x38;
	[tilespmem:$0x12140] =	vst v63  }
0x3a: {  	_ =	swait.ge [sflag:s14], $0x2000  }
0x3b: {  	[sflag:s14] =	ssyncset.done $0x0  }
0x3c: {  	s1 =	rddreg [dreg:$0x8];
	[sflag:s14] =	ssyncadd.s32 $0xFFFFE000  }
0x3d: {  	[hbm4b:s1+s2] =	stream.linear.scatter [tilespmem:s17], [sflag:$0x2], $0x2000, $0x38;
	[tilespmem:$0x12140] =	vst v63  }
0x3e: {  	_ =	swait.ge [sflag:s14], $0x2000  }
0x3f: {  	[sflag:s14] =	ssyncset.done $0x0  }
0x40: {  	[sflag:s14] =	ssyncadd.s32 $0xFFFFE000  }
0x41: {  	[hbm4b:s9+s2] =	stream.linear.scatter [tilespmem:s16], [sflag:$0x2], $0x2000, $0x38;
	[tilespmem:$0x12140] =	vst v63  }
0x42: {  	_ =	swait.ge [sflag:s14], $0x2000  }
0x43: {  	[sflag:s14] =	ssyncset.done $0x0  }
0x44: {  	[sflag:s14] =	ssyncadd.s32 $0xFFFFE000  }
0x45: {  	[hbm4b:s8+s2] =	stream.linear.scatter [tilespmem:s15], [sflag:$0x2], $0x2000, $0x38;
	[tilespmem:$0x12140] =	vst v63  }
0x46: {  	_ =	swait.ge [sflag:s14], $0x2000  }
0x47: {  	[sflag:s14] =	ssyncset.done $0x0  }
0x48: {  	[sflag:s14] =	ssyncadd.s32 $0xFFFFE000  }
0x49: {  	[hbm4b:s7+s2] =	stream.linear.scatter [tilespmem:s12], [sflag:$0x2], $0x2000, $0x38;
	[tilespmem:$0x12140] =	vst v63  }
0x4a: {  	_ =	swait.ge [sflag:s14], $0x2000  }
0x4b: {  	[sflag:s14] =	ssyncset.done $0x0  }
0x4c: {  	[sflag:s14] =	ssyncadd.s32 $0xFFFFE000  }
0x4d: {  	[hbm4b:s6+s2] =	stream.linear.scatter [tilespmem:s13], [sflag:$0x2], $0x2000, $0x38;
	[tilespmem:$0x12140] =	vst v63  }
0x4e: {  	_ =	swait.ge [sflag:s14], $0x2000  }
0x4f: {  	[sflag:s14] =	ssyncset.done $0x0  }
0x50: {  	[sflag:s14] =	ssyncadd.s32 $0xFFFFE000  }
0x51: {  	[hbm4b:s4+s2] =	stream.linear.scatter [tilespmem:s11], [sflag:$0x2], $0x2000, $0x38;
	[tilespmem:$0x12140] =	vst v63  }
0x52: {  	_ =	swait.ge [sflag:s5], $0x2000  }
0x53: {  	[sflag:s5] =	ssyncset.done $0x0  }
0x54: {  	[sflag:s5] =	ssyncadd.s32 $0xFFFFE000  }
0x55: {  	_ =	swait.ge [sflag:s5], $0x2000  }
0x56: {  	[sflag:s5] =	ssyncset.done $0x0  }
0x57: {  	[sflag:s5] =	ssyncadd.s32 $0xFFFFE000  }
0x58: {  	_ =	swait.ge [sflag:s5], $0x2000  }
0x59: {  	[sflag:s5] =	ssyncset.done $0x0  }
0x5a: {  	[sflag:s5] =	ssyncadd.s32 $0xFFFFE000  }
0x5b: {  	_ =	swait.ge [sflag:s5], $0x2000  }
0x5c: {  	[sflag:s5] =	ssyncset.done $0x0  }
0x5d: {  	[sflag:s5] =	ssyncadd.s32 $0xFFFFE000  }
0x5e: {  	_ =	swait.ge [sflag:s5], $0x2000  }
0x5f: {  	[sflag:s5] =	ssyncset.done $0x0  }
0x60: {  	[sflag:s5] =	ssyncadd.s32 $0xFFFFE000  }
0x61: {  	_ =	swait.ge [sflag:s5], $0x2000  }
0x62: {  	s0 =	sadd.s32 $0xFFFFFFFF, s0;
	[sflag:s5] =	ssyncset.done $0x0  }
0x63: {  	p2 =	sne.s32 s0, $0x0;
	[sflag:s5] =	ssyncadd.s32 $0xFFFFE000  }
.Ltmp1:
0x64: {  	_ =	swait.ge [sflag:s5], $0x2000;
	(pc) =	sbr.rel @!p2 .LBB2_2-.Ltmp1, $4  }
0x65: {  	[sflag:s5] =	ssyncset.done $0x0  }
0x66: {  	[sflag:s5] =	ssyncadd.s32 $0xFFFFE000  }
0x67: {  	_ =	swait.ge [sflag:s5], $0x2000  }
0x68: {  	p1 =	por $0x1, $0x1;
	s1 =	rddreg [dreg:$0x5];
	[sflag:s5] =	ssyncset.done $0x0  }
.LBB2_3:
0x69: {  	[sflag:s5] =	ssyncadd.s32 $0xFFFFE000  }
0x6a: {  	[tilespmem:s2], [sflag:$0x3] =	stream.linear.gather [hbm4b:s1+s2], $0x200, $0x38;
	[tilespmem:$0x12140] =	vst v63  }
0x6b: {  	_ =	swait.ge [sflag:s24], $0x200  }
0x6c: {  	[sflag:s24] =	ssyncset.done $0x0  }
0x6d: {  	s1 =	rddreg [dreg:$0x6];
	[sflag:s24] =	ssyncadd.s32 $0xFFFFFE00  }
0x6e: {  	[spmem:s28], [sflag:s25] =	dma.local @!p0 [hbm:s1], $0xC80  }
0x6f: {  	_ =	swait.ge @!p0 [sflag:s31], $0xC80  }
0x70: {  	[sflag:s31] =	ssyncset.done @!p0 $0x0  }
0x71: {  	[sflag:s31] =	ssyncadd.s32 @!p0 $0xFFFFF380  }
0x72: {  	[bflag:$0x0] =	sbarrier.arrive $0xFFFF  }
0x73: {  	[tilespmem:s19], [sflag:$0x1] =	stream.indirect.gather [spmem:s3], $0x80, s2, s20, $0xb8;
	[tilespmem:$0x12140] =	vst v63  }
0x74: {  	_ = 	snop  }
0x75: {  	[tilespmem:s18], [sflag:$0x1] =	stream.indirect.gather [spmem:s3], $0x80, s20, s20, $0xb8;
	[tilespmem:$0x12140] =	vst v63  }
0x76: {  	_ = 	snop  }
0x77: {  	[tilespmem:s17], [sflag:$0x1] =	stream.indirect.gather [spmem:s3], $0x80, s21, s20, $0xb8;
	[tilespmem:$0x12140] =	vst v63  }
0x78: {  	_ = 	snop  }
0x79: {  	[tilespmem:s16], [sflag:$0x1] =	stream.indirect.gather [spmem:s3], $0x80, s22, s20, $0xb8;
	[tilespmem:$0x12140] =	vst v63  }
0x7a: {  	_ = 	snop  }
0x7b: {  	[tilespmem:s15], [sflag:$0x1] =	stream.indirect.gather [spmem:s3], $0x80, s23, s20, $0xb8;
	[tilespmem:$0x12140] =	vst v63  }
0x7c: {  	_ = 	snop  }
0x7d: {  	[tilespmem:s12], [sflag:$0x1] =	stream.indirect.gather [spmem:s3], $0x80, s26, s20, $0xb8;
	[tilespmem:$0x12140] =	vst v63  }
0x7e: {  	_ = 	snop  }
0x7f: {  	[tilespmem:s13], [sflag:$0x1] =	stream.indirect.gather [spmem:s3], $0x80, s29, s20, $0xb8;
	[tilespmem:$0x12140] =	vst v63  }
0x80: {  	_ = 	snop  }
0x81: {  	[tilespmem:s11], [sflag:$0x1] =	stream.indirect.gather [spmem:s3], $0x80, s30, s20, $0xb8;
	[tilespmem:$0x12140] =	vst v63  }
0x82: {  	_ =	swait.ge [sflag:s14], $0x2000  }
0x83: {  	[sflag:s14] =	ssyncset.done $0x0  }
0x84: {  	[sflag:s14] =	ssyncadd.s32 $0xFFFFE000  }
0x85: {  	[hbm4b:s10+s2] =	stream.linear.scatter [tilespmem:s19], [sflag:$0x2], $0x2000, $0x38;
	[tilespmem:$0x12140] =	vst v63  }
0x86: {  	_ =	swait.ge [sflag:s14], $0x2000  }
0x87: {  	[sflag:s14] =	ssyncset.done $0x0  }
0x88: {  	s1 =	rddreg [dreg:$0x7];
	[sflag:s14] =	ssyncadd.s32 $0xFFFFE000  }
0x89: {  	[hbm4b:s1+s2] =	stream.linear.scatter [tilespmem:s18], [sflag:$0x2], $0x2000, $0x38;
	[tilespmem:$0x12140] =	vst v63  }
0x8a: {  	_ =	swait.ge [sflag:s14], $0x2000  }
0x8b: {  	[sflag:s14] =	ssyncset.done $0x0  }
0x8c: {  	s1 =	rddreg [dreg:$0x8];
	[sflag:s14] =	ssyncadd.s32 $0xFFFFE000  }
0x8d: {  	[hbm4b:s1+s2] =	stream.linear.scatter [tilespmem:s17], [sflag:$0x2], $0x2000, $0x38;
	[tilespmem:$0x12140] =	vst v63  }
0x8e: {  	_ =	swait.ge [sflag:s14], $0x2000  }
0x8f: {  	[sflag:s14] =	ssyncset.done $0x0  }
0x90: {  	[sflag:s14] =	ssyncadd.s32 $0xFFFFE000  }
0x91: {  	[hbm4b:s9+s2] =	stream.linear.scatter [tilespmem:s16], [sflag:$0x2], $0x2000, $0x38;
	[tilespmem:$0x12140] =	vst v63  }
0x92: {  	_ =	swait.ge [sflag:s14], $0x2000  }
0x93: {  	[sflag:s14] =	ssyncset.done $0x0  }
0x94: {  	[sflag:s14] =	ssyncadd.s32 $0xFFFFE000  }
0x95: {  	[hbm4b:s8+s2] =	stream.linear.scatter [tilespmem:s15], [sflag:$0x2], $0x2000, $0x38;
	[tilespmem:$0x12140] =	vst v63  }
0x96: {  	_ =	swait.ge [sflag:s14], $0x2000  }
0x97: {  	[sflag:s14] =	ssyncset.done $0x0  }
0x98: {  	[sflag:s14] =	ssyncadd.s32 $0xFFFFE000  }
0x99: {  	[hbm4b:s7+s2] =	stream.linear.scatter [tilespmem:s12], [sflag:$0x2], $0x2000, $0x38;
	[tilespmem:$0x12140] =	vst v63  }
0x9a: {  	_ =	swait.ge [sflag:s14], $0x2000  }
0x9b: {  	[sflag:s14] =	ssyncset.done $0x0  }
0x9c: {  	[sflag:s14] =	ssyncadd.s32 $0xFFFFE000  }
0x9d: {  	[hbm4b:s6+s2] =	stream.linear.scatter [tilespmem:s13], [sflag:$0x2], $0x2000, $0x38;
	[tilespmem:$0x12140] =	vst v63  }
0x9e: {  	_ =	swait.ge [sflag:s14], $0x2000  }
0x9f: {  	[sflag:s14] =	ssyncset.done $0x0  }
0xa0: {  	[sflag:s14] =	ssyncadd.s32 $0xFFFFE000  }
0xa1: {  	[hbm4b:s4+s2] =	stream.linear.scatter [tilespmem:s11], [sflag:$0x2], $0x2000, $0x38;
	[tilespmem:$0x12140] =	vst v63  }
0xa2: {  	_ =	swait.ge [sflag:s5], $0x2000  }
0xa3: {  	[sflag:s5] =	ssyncset.done $0x0  }
0xa4: {  	[sflag:s5] =	ssyncadd.s32 $0xFFFFE000  }
0xa5: {  	_ =	swait.ge [sflag:s5], $0x2000  }
0xa6: {  	[sflag:s5] =	ssyncset.done $0x0  }
0xa7: {  	[sflag:s5] =	ssyncadd.s32 $0xFFFFE000  }
0xa8: {  	_ =	swait.ge [sflag:s5], $0x2000  }
0xa9: {  	[sflag:s5] =	ssyncset.done $0x0  }
0xaa: {  	[sflag:s5] =	ssyncadd.s32 $0xFFFFE000  }
0xab: {  	_ =	swait.ge [sflag:s5], $0x2000  }
0xac: {  	[sflag:s5] =	ssyncset.done $0x0  }
0xad: {  	[sflag:s5] =	ssyncadd.s32 $0xFFFFE000  }
0xae: {  	_ =	swait.ge [sflag:s5], $0x2000  }
0xaf: {  	[sflag:s5] =	ssyncset.done $0x0  }
0xb0: {  	[sflag:s5] =	ssyncadd.s32 $0xFFFFE000  }
0xb1: {  	_ =	swait.ge [sflag:s5], $0x2000  }
0xb2: {  	s0 =	sadd.s32 $0xFFFFFFFF, s0;
	[sflag:s5] =	ssyncset.done $0x0  }
0xb3: {  	p2 =	sne.s32 s0, $0x0;
	[sflag:s5] =	ssyncadd.s32 $0xFFFFE000  }
.Ltmp2:
0xb4: {  	_ =	swait.ge [sflag:s5], $0x2000;
	(pc) =	sbr.rel @p2 .LBB2_3-.Ltmp2, $4  }
0xb5: {  	[sflag:s5] =	ssyncset.done $0x0  }
0xb6: {  	[sflag:s5] =	ssyncadd.s32 $0xFFFFE000  }
0xb7: {  	_ =	swait.ge [sflag:s5], $0x2000  }
0xb8: {  	s1 =	rddreg [dreg:$0x5];
	[sflag:s5] =	ssyncset.done $0x0  }
0xb9: {  	s31 =	rddreg [dreg:$0x4]  }
.LBB2_5:
0xba: {  	[sflag:s5] =	ssyncadd.s32 @p1 $0xFFFFE000  }
0xbb: {  	[tilespmem:s2], [sflag:$0x3] =	stream.linear.gather [hbm4b:s1+s2], $0x200, $0x38;
	[tilespmem:$0x12140] =	vst v63  }
0xbc: {  	_ =	swait.ge [sflag:s24], $0x200  }
0xbd: {  	[sflag:s24] =	ssyncset.done $0x0  }
0xbe: {  	s0 =	rddreg [dreg:$0x6];
	[sflag:s24] =	ssyncadd.s32 $0xFFFFFE00  }
0xbf: {  	[spmem:s28], [sflag:s25] =	dma.local @!p0 [hbm:s0], $0xC80  }
0xc0: {  	s0 =	simm.s32 @!p0 $0x3  }
0xc1: {  	_ =	swait.ge @!p0 [sflag:s0], $0xC80  }
0xc2: {  	[sflag:s0] =	ssyncset.done @!p0 $0x0  }
0xc3: {  	[sflag:s0] =	ssyncadd.s32 @!p0 $0xFFFFF380  }
0xc4: {  	[bflag:$0x0] =	sbarrier.arrive $0xFFFF  }
0xc5: {  	[tilespmem:s19], [sflag:$0x1] =	stream.indirect.gather [spmem:s3], $0x80, s2, s20, $0xb8;
	[tilespmem:$0x12140] =	vst v63  }
0xc6: {  	_ = 	snop  }
0xc7: {  	[tilespmem:s18], [sflag:$0x1] =	stream.indirect.gather [spmem:s3], $0x80, s20, s20, $0xb8;
	[tilespmem:$0x12140] =	vst v63  }
0xc8: {  	_ = 	snop  }
0xc9: {  	[tilespmem:s17], [sflag:$0x1] =	stream.indirect.gather [spmem:s3], $0x80, s21, s20, $0xb8;
	[tilespmem:$0x12140] =	vst v63  }
0xca: {  	_ = 	snop  }
0xcb: {  	[tilespmem:s16], [sflag:$0x1] =	stream.indirect.gather [spmem:s3], $0x80, s22, s20, $0xb8;
	[tilespmem:$0x12140] =	vst v63  }
0xcc: {  	_ = 	snop  }
0xcd: {  	[tilespmem:s15], [sflag:$0x1] =	stream.indirect.gather [spmem:s3], $0x80, s23, s20, $0xb8;
	[tilespmem:$0x12140] =	vst v63  }
0xce: {  	_ = 	snop  }
0xcf: {  	[tilespmem:s12], [sflag:$0x1] =	stream.indirect.gather [spmem:s3], $0x80, s26, s20, $0xb8;
	[tilespmem:$0x12140] =	vst v63  }
0xd0: {  	_ = 	snop  }
0xd1: {  	[tilespmem:s13], [sflag:$0x1] =	stream.indirect.gather [spmem:s3], $0x80, s29, s20, $0xb8;
	[tilespmem:$0x12140] =	vst v63  }
0xd2: {  	_ = 	snop  }
0xd3: {  	[tilespmem:s11], [sflag:$0x1] =	stream.indirect.gather [spmem:s3], $0x80, s30, s20, $0xb8;
	[tilespmem:$0x12140] =	vst v63  }
0xd4: {  	_ =	swait.ge [sflag:s14], $0x2000  }
0xd5: {  	[sflag:s14] =	ssyncset.done $0x0  }
0xd6: {  	[sflag:s14] =	ssyncadd.s32 $0xFFFFE000  }
0xd7: {  	[hbm4b:s10+s2] =	stream.linear.scatter [tilespmem:s19], [sflag:$0x2], $0x2000, $0x38;
	[tilespmem:$0x12140] =	vst v63  }
0xd8: {  	_ =	swait.ge [sflag:s14], $0x2000  }
0xd9: {  	[sflag:s14] =	ssyncset.done $0x0  }
0xda: {  	s28 =	rddreg [dreg:$0x7];
	[sflag:s14] =	ssyncadd.s32 $0xFFFFE000  }
0xdb: {  	[hbm4b:s28+s2] =	stream.linear.scatter [tilespmem:s18], [sflag:$0x2], $0x2000, $0x38;
	[tilespmem:$0x12140] =	vst v63  }
0xdc: {  	_ =	swait.ge [sflag:s14], $0x2000  }
0xdd: {  	[sflag:s14] =	ssyncset.done $0x0  }
0xde: {  	s29 =	rddreg [dreg:$0x8];
	[sflag:s14] =	ssyncadd.s32 $0xFFFFE000  }
0xdf: {  	[hbm4b:s29+s2] =	stream.linear.scatter [tilespmem:s17], [sflag:$0x2], $0x2000, $0x38;
	[tilespmem:$0x12140] =	vst v63  }
0xe0: {  	_ =	swait.ge [sflag:s14], $0x2000  }
0xe1: {  	[sflag:s14] =	ssyncset.done $0x0  }
0xe2: {  	[sflag:s14] =	ssyncadd.s32 $0xFFFFE000  }
0xe3: {  	[hbm4b:s9+s2] =	stream.linear.scatter [tilespmem:s16], [sflag:$0x2], $0x2000, $0x38;
	[tilespmem:$0x12140] =	vst v63  }
0xe4: {  	_ =	swait.ge [sflag:s14], $0x2000  }
0xe5: {  	[sflag:s14] =	ssyncset.done $0x0  }
0xe6: {  	[sflag:s14] =	ssyncadd.s32 $0xFFFFE000  }
0xe7: {  	[hbm4b:s8+s2] =	stream.linear.scatter [tilespmem:s15], [sflag:$0x2], $0x2000, $0x38;
	[tilespmem:$0x12140] =	vst v63  }
0xe8: {  	_ =	swait.ge [sflag:s14], $0x2000  }
0xe9: {  	[sflag:s14] =	ssyncset.done $0x0  }
0xea: {  	[sflag:s14] =	ssyncadd.s32 $0xFFFFE000  }
0xeb: {  	[hbm4b:s7+s2] =	stream.linear.scatter [tilespmem:s12], [sflag:$0x2], $0x2000, $0x38;
	[tilespmem:$0x12140] =	vst v63  }
0xec: {  	_ =	swait.ge [sflag:s14], $0x2000  }
0xed: {  	[sflag:s14] =	ssyncset.done $0x0  }
0xee: {  	[sflag:s14] =	ssyncadd.s32 $0xFFFFE000  }
0xef: {  	[hbm4b:s6+s2] =	stream.linear.scatter [tilespmem:s13], [sflag:$0x2], $0x2000, $0x38;
	[tilespmem:$0x12140] =	vst v63  }
0xf0: {  	_ =	swait.ge [sflag:s14], $0x2000  }
0xf1: {  	[sflag:s14] =	ssyncset.done $0x0  }
0xf2: {  	[sflag:s14] =	ssyncadd.s32 $0xFFFFE000  }
0xf3: {  	[hbm4b:s4+s2] =	stream.linear.scatter [tilespmem:s11], [sflag:$0x2], $0x2000, $0x38;
	[tilespmem:$0x12140] =	vst v63  }
0xf4: {  	_ =	swait.ge [sflag:s5], $0x2000  }
0xf5: {  	[sflag:s5] =	ssyncset.done $0x0  }
0xf6: {  	[sflag:s5] =	ssyncadd.s32 $0xFFFFE000  }
0xf7: {  	_ =	swait.ge [sflag:s5], $0x2000  }
0xf8: {  	[sflag:s5] =	ssyncset.done $0x0  }
0xf9: {  	[sflag:s5] =	ssyncadd.s32 $0xFFFFE000  }
0xfa: {  	_ =	swait.ge [sflag:s5], $0x2000  }
0xfb: {  	[sflag:s5] =	ssyncset.done $0x0  }
0xfc: {  	[sflag:s5] =	ssyncadd.s32 $0xFFFFE000  }
0xfd: {  	_ =	swait.ge [sflag:s5], $0x2000  }
0xfe: {  	[sflag:s5] =	ssyncset.done $0x0  }
0xff: {  	[sflag:s5] =	ssyncadd.s32 $0xFFFFE000  }
0x100: {  	_ =	swait.ge [sflag:s5], $0x2000  }
0x101: {  	[sflag:s5] =	ssyncset.done $0x0  }
0x102: {  	[sflag:s5] =	ssyncadd.s32 $0xFFFFE000  }
0x103: {  	_ =	swait.ge [sflag:s5], $0x2000  }
0x104: {  	[sflag:s5] =	ssyncset.done $0x0  }
0x105: {  	[sflag:s5] =	ssyncadd.s32 $0xFFFFE000  }
0x106: {  	_ =	swait.ge [sflag:s5], $0x2000  }
0x107: {  	[sflag:s5] =	ssyncset.done $0x0  }
0x108: {  	[sflag:s5] =	ssyncadd.s32 $0xFFFFE000  }
0x109: {  	_ =	swait.ge [sflag:s5], $0x2000  }
0x10a: {  	[sflag:s5] =	ssyncset.done $0x0  }
0x10b: {  	[sflag:s5] =	ssyncadd.s32 $0xFFFFE000  }
0x10c: {  	_ =	sfence.sel $0x180000  }
0x10d: {  	s30 =	stileid.u32;
	[bflag:$0x0] =	sbarrier.arrive $0xFFFF  }
0x10e: {  	p0 =	sne.s32 s30, $0x0;
	_ =	strace $0x90000047  }
0x10f: {  	s0 =	sadd.s32 @!p0 $0x100000, s31;
	[bflag:$0x2] =	sbarrier.arrive $0xFFFF  }
0x110: {  	[sflag:s0] =	ssyncadd.tile.s32 @!p0 $0x1;
	_ =	shalt  }
.LBB2_2:
.Ltmp3:
0x111: {  	(pc) =	sbr.rel .LBB2_5-.Ltmp3, $2  }
0x112: {  	_ =	sdelay $0x2  }
0x113: {  	s31 =	rddreg [dreg:$0x4]  }
.Lfunc_end2:
_tile_overlayer_lowered:
.L_overlay_start_2:
0x114: {  	(tag) =	ssettag $0x2  }
0x115: {  	s0 =	rddreg [dreg:$0x0];
	s2 =	stileid.u32  }
0x116: {  	s1 =	rddreg [dreg:$0x1];
	p0 =	sne.s32 s2, $0x0  }
0x117: {  	s3 =	rddreg [dreg:$0x2];
	[bflag:$0x3] =	sbarrier.arrive $0xFFFF;
	s2 =	simm.s32 @!p0 $0x1C03  }
0x118: {  	[timem:s3], [sflag:s2] =	dma.local @!p0 [hbm:s0], s1  }
0x119: {  	s0 =	simm.s32 @!p0 $0x3  }
0x11a: {  	_ =	swait.ge @!p0 [sflag:s0], s1  }
0x11b: {  	s1 =	ssub.s32 @!p0 $0x0, s1;
	[sflag:s0] =	ssyncset.done @!p0 $0x0  }
0x11c: {  	[sflag:s0] =	ssyncadd.s32 @!p0 s1  }
0x11d: {  	[bflag:$0x3] =	sbarrier.arrive $0xFFFF  }
0x11e: {  	_ =	shalt  }

</sc_bundles>
